<compile_context>
chip_gen: v7x
topology: tpu7x:2x2x1
jax: 0.10.2.dev20260603
libtpu: 0.0.44.dev20260713+nightly
codegen_flags: <defaults>
</compile_context>

<pallas_src>
import jax
import jax.numpy as jnp
from jax.experimental import pallas as pl
from jax.experimental.pallas import tpu as pltpu
from jax.experimental.pallas import tpu_sc as plsc

_GATHER_WINDOW = 128


def _sc_gather(emb, idx_flat, n_idx, d):
    mesh = plsc.VectorSubcoreMesh(core_axis_name="core",
                                  subcore_axis_name="subcore")

    nsub = 4
    win = nsub * _GATHER_WINDOW

    @pl.kernel(out_type=jax.ShapeDtypeStruct((n_idx, d), emb.dtype),
               mesh=mesh,
               compiler_params=pltpu.CompilerParams(use_tc_tiling_on_sc=False))
    def k(emb_hbm, i_hbm, o_hbm):
        def body(i_vmem, o_vmem):
            def inner(sem):
                cps = [
                    pltpu.async_copy(
                        emb_hbm.at[i_vmem.at[0, pl.ds(j * _GATHER_WINDOW,
                                                      _GATHER_WINDOW)]],
                        o_vmem.at[pl.ds(j * _GATHER_WINDOW, _GATHER_WINDOW)],
                        sem)
                    for j in range(nsub)
                ]
                for cp in cps:
                    cp.wait()

            pl.run_scoped(inner, pltpu.SemaphoreType.DMA)

        pltpu.emit_pipeline(
            body,
            grid=(n_idx // win,),
            in_specs=[pl.BlockSpec((1, win), index_map=lambda i: (0, i))],
            out_specs=[pl.BlockSpec((win, d), index_map=lambda i: (i, 0))],
            core_axis_name=("core", "subcore"),
            dimension_semantics=(pltpu.PARALLEL,),
        )(i_hbm, o_hbm)

    return k(emb, idx_flat)


_VB = 4096


def _tc_detile(emb_t, v_pad, e):
    qs = _VB // 4

    def body(in_ref, o_ref):
        u = jnp.concatenate(
            [in_ref[:, q * qs:(q + 1) * qs] for q in range(4)], axis=0)
        o_ref[...] = u.T

    return pl.pallas_call(
        body,
        grid=(v_pad // _VB,),
        in_specs=[pl.BlockSpec((e, _VB), lambda i: (0, i))],
        out_specs=pl.BlockSpec((qs, 4 * e), lambda i: (i, 0)),
        out_shape=jax.ShapeDtypeStruct((v_pad // 4, 4 * e), jnp.float32),
    )(emb_t)


def _tc_mlp(flat, W1, b1, W2, b2):
    B, F = flat.shape
    H = W1.shape[1]
    BLK = 1024

    def body(x_ref, w1_ref, b1_ref, w2_ref, b2_ref, o_ref):
        h = jnp.dot(x_ref[...], w1_ref[...],
                    preferred_element_type=jnp.float32)
        h = jnp.maximum(h + b1_ref[...], 0.0)
        o_ref[...] = (jnp.sum(h * w2_ref[...], axis=1, keepdims=True)
                      + b2_ref[0, 0])

    return pl.pallas_call(
        body,
        grid=(B // BLK,),
        in_specs=[
            pl.BlockSpec((BLK, F), lambda i: (i, 0)),
            pl.BlockSpec((F, H), lambda i: (0, 0)),
            pl.BlockSpec((1, H), lambda i: (0, 0)),
            pl.BlockSpec((1, H), lambda i: (0, 0)),
            pl.BlockSpec((1, 1), lambda i: (0, 0)),
        ],
        out_specs=pl.BlockSpec((BLK, 1), lambda i: (i, 0)),
        out_shape=jax.ShapeDtypeStruct((B, 1), jnp.float32),
    )(flat, W1, b1.reshape(1, H), W2.reshape(1, H), b2.reshape(1, 1))


def kernel(x, emb, W1, b1, W2, b2):
    B, C = x.shape
    V, E = emb.shape
    v_pad = -(-V // _VB) * _VB
    xi = x.astype(jnp.int32)
    qs = _VB // 4
    xm = ((xi & jnp.int32(~(_VB - 1))) | ((xi & (qs - 1)) << 2)
          | ((xi & (_VB - 1)) >> (qs.bit_length() - 1)))
    idx_flat = xm.reshape(1, B * C)
    emb_lin = _tc_detile(emb.T, v_pad, E).reshape(v_pad, E)
    gathered = _sc_gather(emb_lin, idx_flat, B * C, E)
    flat = gathered.reshape(B, C * E)
    return _tc_mlp(flat, W1, b1, W2, b2)

# --- scband reference (transcript-rebuilt; emitter-appended) ---
"""Pipeline reference for scband-bengio-nn-36335423324714 (READ-ONLY COPY).

The authoritative reference and input builder live on the scoring server;
editing this copy changes nothing except your own understanding.
"""

import jax, jax.numpy as jnp
import numpy as np

VOCAB = 1000000
CONTEXT = 20
EMBED = 32
HIDDEN = 128
BATCH = 16384


def setup_inputs(seed: int = 0) -> dict:
    key = jax.random.key(seed)
    k1, k2, k3, k4, k5, k6 = jax.random.split(key, 6)
    x = jax.random.randint(k1, (BATCH, CONTEXT), 0, VOCAB, dtype=jnp.int64 if jax.config.jax_enable_x64 else jnp.int32)
    emb = jax.random.normal(k2, (VOCAB, EMBED), dtype=jnp.float32)
    fan_in1 = EMBED * CONTEXT
    W1 = jax.random.uniform(k3, (fan_in1, HIDDEN), minval=-1.0, maxval=1.0, dtype=jnp.float32) / np.sqrt(fan_in1)
    b1 = jax.random.uniform(k4, (HIDDEN,), minval=-1.0, maxval=1.0, dtype=jnp.float32) / np.sqrt(fan_in1)
    W2 = jax.random.uniform(k5, (HIDDEN, 1), minval=-1.0, maxval=1.0, dtype=jnp.float32) / np.sqrt(HIDDEN)
    b2 = jax.random.uniform(k6, (1,), minval=-1.0, maxval=1.0, dtype=jnp.float32) / np.sqrt(HIDDEN)
    return {"x": x, "emb": emb, "W1": W1, "b1": b1, "W2": W2, "b2": b2}


def reference(x, emb, W1, b1, W2, b2):
    embedded = jnp.take(emb, x, axis=0)               # [B, CONTEXT, EMBED]
    flattened = embedded.reshape(embedded.shape[0], -1)  # [B, CONTEXT*EMBED]
    hidden = jax.nn.relu(flattened @ W1 + b1)         # [B, HIDDEN]
    logits = hidden @ W2 + b2                          # [B, 1]
    return logits

if __name__ == "__main__":
    import jax
    _d = setup_inputs()
    print(jax.jit(kernel)(*tuple(_d.values())))

</pallas_src>

<mosaic_0001>
#map = affine_map<(d0, d1) -> (0, 0)>
module attributes {stable_mosaic.version = 14 : i64} {
  func.func @k(%arg0: i32, %arg1: i32, %arg2: memref<1003520x32xf32, #tpu.memory_space<hbm>>, %arg3: memref<1x327680xi32, #tpu.memory_space<hbm>>, %arg4: memref<327680x32xf32, #tpu.memory_space<hbm>>) attributes {dimension_semantics = [#tpu.dimension_semantics<core_parallel>, #tpu.dimension_semantics<subcore_parallel>], iteration_bounds = array<i64: 2, 16>, scalar_prefetch = 0 : i64, scratch_operands = 0 : i64, tpu.core_type = #tpu.core_type<sc_vector_subcore>, window_params = [{transform_indices = #map}, {transform_indices = #map}, {transform_indices = #map}]} {
    %mul3A = arith.constant 1 : i32
    %mul3A_0 = arith.muli %arg1, %mul3A : i32
    %add3A = arith.constant 0 : i32
    %add3A_1 = arith.addi %add3A, %mul3A_0 : i32
    %mul3A_2 = arith.constant 16 : i32
    %mul3A_3 = arith.muli %arg0, %mul3A_2 : i32
    %add3A_4 = arith.addi %add3A_1, %mul3A_3 : i32
    %mul3A_5 = arith.constant 20 : i32
    %mul3A_6 = arith.muli %add3A_4, %mul3A_5 : i32
    "tpu.region"() ({
      %run_scoped3A = memref.alloca() : memref<2x1x512xi32, #tpu.memory_space<vmem>>
      %run_scoped3A_7 = tpu.sem_alloc : memref<2x!tpu.dma_semaphore, #tpu.memory_space<semaphore_mem>>
      %run_scoped3A_8 = memref.alloca() : memref<2x512x32xf32, #tpu.memory_space<vmem>>
      %run_scoped3A_9 = tpu.sem_alloc : memref<2x!tpu.dma_semaphore, #tpu.memory_space<semaphore_mem>>
      %add3A_10 = arith.constant 0 : i32
      %add3A_11 = arith.addi %add3A_10, %mul3A_6 : i32
      %select_n3A = arith.constant true
      %select_n3A_12 = arith.constant 0 : i32
      %select_n3A_13 = arith.constant -1 : i32
      %select_n3A_14 = arith.select %select_n3A, %select_n3A_13, %select_n3A_12 : i32
      %eq3A = arith.constant -1 : i32
      %eq3A_15 = arith.cmpi eq, %select_n3A_14, %eq3A : i32
      %select_n3A_16 = arith.constant 19 : i32
      %select_n3A_17 = arith.select %eq3A_15, %select_n3A_16, %select_n3A_14 : i32
      %add3A_18 = arith.addi %select_n3A_17, %mul3A_6 : i32
      %select_n3A_19 = arith.constant true
      %select_n3A_20 = arith.constant 0 : i32
      %select_n3A_21 = arith.constant 1 : i32
      %select_n3A_22 = arith.select %select_n3A_19, %select_n3A_21, %select_n3A_20 : i32
      %eq3A_23 = arith.constant 20 : i32
      %eq3A_24 = arith.cmpi eq, %select_n3A_22, %eq3A_23 : i32
      %select_n3A_25 = arith.constant 0 : i32
      %select_n3A_26 = arith.select %eq3A_24, %select_n3A_25, %select_n3A_22 : i32
      %add3A_27 = arith.addi %select_n3A_26, %mul3A_6 : i32
      %add3A_28 = arith.constant 1 : i32
      %add3A_29 = arith.addi %select_n3A_26, %add3A_28 : i32
      %select_n3A_30 = arith.constant true
      %select_n3A_31 = arith.select %select_n3A_30, %add3A_29, %select_n3A_26 : i32
      %eq3A_32 = arith.constant 20 : i32
      %eq3A_33 = arith.cmpi eq, %select_n3A_31, %eq3A_32 : i32
      %select_n3A_34 = arith.constant 0 : i32
      %select_n3A_35 = arith.select %eq3A_33, %select_n3A_34, %select_n3A_31 : i32
      %add3A_36 = arith.addi %select_n3A_35, %mul3A_6 : i32
      "tpu.trace_start"() <{level = 10 : i32, message = "ep_initialize_0"}> : () -> ()
      %rem3A = arith.constant 0 : i32
      %rem3A_37 = arith.constant 2 : i32
      %rem3A_38 = arith.remui %rem3A, %rem3A_37 : i32
      %mul3A_39 = arith.constant 512 : i32
      %mul3A_40 = arith.muli %mul3A_39, %add3A_11 : i32
      %dma_start3A = arith.constant 0 : i32
      %dma_start3A_41 = arith.constant 0 : i32
      %dma_start3A_42 = tpu.memref_slice %run_scoped3A[%rem3A_38, %dma_start3A, %dma_start3A_41] : memref<2x1x512xi32, #tpu.memory_space<vmem>> -> memref<1x1x512xi32, #tpu.memory_space<vmem>>
      %dma_start3A_43 = tpu.memref_squeeze %dma_start3A_42 : memref<1x1x512xi32, #tpu.memory_space<vmem>> -> memref<1x512xi32, #tpu.memory_space<vmem>>
      %dma_start3A_44 = arith.constant 0 : i32
      %dma_start3A_45 = tpu.memref_slice %arg3[%dma_start3A_44, %mul3A_40] : memref<1x327680xi32, #tpu.memory_space<hbm>> -> memref<1x512xi32, #tpu.memory_space<hbm>>
      %dma_start3A_46 = tpu.memref_slice %run_scoped3A_7[%rem3A_38] : memref<2x!tpu.dma_semaphore, #tpu.memory_space<semaphore_mem>> -> memref<1x!tpu.dma_semaphore, #tpu.memory_space<semaphore_mem>>
      %dma_start3A_47 = tpu.memref_squeeze %dma_start3A_46 : memref<1x!tpu.dma_semaphore, #tpu.memory_space<semaphore_mem>> -> memref<!tpu.dma_semaphore, #tpu.memory_space<semaphore_mem>>
      %dma_start3A_48 = arith.constant 0 : i32
      %dma_start3A_49 = arith.constant 0 : i32
      %dma_start3A_50 = tpu.memref_slice %run_scoped3A[%rem3A_38, %dma_start3A_48, %dma_start3A_49] : memref<2x1x512xi32, #tpu.memory_space<vmem>> -> memref<1x1x512xi32, #tpu.memory_space<vmem>>
      %dma_start3A_51 = tpu.memref_squeeze %dma_start3A_50 : memref<1x1x512xi32, #tpu.memory_space<vmem>> -> memref<1x512xi32, #tpu.memory_space<vmem>>
      %dma_start3A_52 = arith.constant 0 : i32
      %dma_start3A_53 = tpu.memref_slice %arg3[%dma_start3A_52, %mul3A_40] : memref<1x327680xi32, #tpu.memory_space<hbm>> -> memref<1x512xi32, #tpu.memory_space<hbm>>
      tpu.enqueue_dma source(%dma_start3A_53 : memref<1x512xi32, #tpu.memory_space<hbm>>) target(%dma_start3A_51 : memref<1x512xi32, #tpu.memory_space<vmem>>) target_semaphore(%dma_start3A_47 : memref<!tpu.dma_semaphore, #tpu.memory_space<semaphore_mem>>)
      %add3A_54 = arith.constant 0 : i32
      %add3A_55 = arith.constant 1 : i32
      %add3A_56 = arith.addi %add3A_54, %add3A_55 : i32
      %select_n3A_57 = arith.constant true
      %select_n3A_58 = arith.constant 0 : i32
      %select_n3A_59 = arith.select %select_n3A_57, %add3A_56, %select_n3A_58 : i32
      "tpu.trace_stop"() : () -> ()
      %scan3A = arith.constant 0 : i32
      %scan3A_60 = arith.constant 0 : i32
      %scan3A_61 = arith.constant 0 : i32
      %scan3A_62 = arith.constant 0 : i32
      %scan3A_63 = arith.constant 0 : i32
      %scan3A_64 = arith.constant 20 : i32
      %scan3A_65 = arith.addi %scan3A_63, %scan3A_64 : i32
      %scan3A_66 = arith.constant 1 : i32
      %scan3A_67:5 = scf.for %scan3A_121 = %scan3A_63 to %scan3A_65 step %scan3A_66 iter_args(%scan3A_122 = %select_n3A_59, %scan3A_123 = %scan3A, %scan3A_124 = %scan3A_60, %scan3A_125 = %scan3A_61, %scan3A_126 = %scan3A_62) -> (i32, i32, i32, i32, i32)  : i32 {
        %eq3A_127 = arith.constant 0 : i32
        %eq3A_128 = arith.cmpi eq, %scan3A_121, %eq3A_127 : i32
        %eq3A_129 = arith.constant 19 : i32
        %eq3A_130 = arith.cmpi eq, %scan3A_121, %eq3A_129 : i32
        %add3A_131 = arith.addi %scan3A_126, %mul3A_6 : i32
        %sub3A_132 = arith.constant 1 : i32
        %sub3A_133 = arith.subi %scan3A_126, %sub3A_132 : i32
        %select_n3A_134 = arith.constant true
        %select_n3A_135 = arith.select %select_n3A_134, %sub3A_133, %scan3A_126 : i32
        %eq3A_136 = arith.constant -1 : i32
        %eq3A_137 = arith.cmpi eq, %select_n3A_135, %eq3A_136 : i32
        %select_n3A_138 = arith.constant 19 : i32
        %select_n3A_139 = arith.select %eq3A_137, %select_n3A_138, %select_n3A_135 : i32
        %add3A_140 = arith.addi %select_n3A_139, %mul3A_6 : i32
        %add3A_141 = arith.constant 1 : i32
        %add3A_142 = arith.addi %scan3A_126, %add3A_141 : i32
        %select_n3A_143 = arith.constant true
        %select_n3A_144 = arith.select %select_n3A_143, %add3A_142, %scan3A_126 : i32
        %eq3A_145 = arith.constant 20 : i32
        %eq3A_146 = arith.cmpi eq, %select_n3A_144, %eq3A_145 : i32
        %select_n3A_147 = arith.constant 0 : i32
        %select_n3A_148 = arith.select %eq3A_146, %select_n3A_147, %select_n3A_144 : i32
        %add3A_149 = arith.addi %select_n3A_148, %mul3A_6 : i32
        %add3A_150 = arith.constant 1 : i32
        %add3A_151 = arith.addi %select_n3A_148, %add3A_150 : i32
        %select_n3A_152 = arith.constant true
        %select_n3A_153 = arith.select %select_n3A_152, %add3A_151, %select_n3A_148 : i32
        %eq3A_154 = arith.constant 20 : i32
        %eq3A_155 = arith.cmpi eq, %select_n3A_153, %eq3A_154 : i32
        %select_n3A_156 = arith.constant 0 : i32
        %select_n3A_157 = arith.select %eq3A_155, %select_n3A_156, %select_n3A_153 : i32
        %add3A_158 = arith.addi %select_n3A_157, %mul3A_6 : i32
        %ne3A = arith.cmpi ne, %add3A_131, %add3A_149 : i32
        %or3A = arith.constant false
        %or3A_159 = arith.ori %or3A, %ne3A : i1
        %ge3A = arith.constant 19 : i32
        %ge3A_160 = arith.cmpi sge, %scan3A_121, %ge3A : i32
        %not3A = arith.constant true
        %not3A_161 = arith.xori %ge3A_160, %not3A : i1
        %and3A = arith.andi %or3A_159, %not3A_161 : i1
        %convert_element_type3A = arith.extui %and3A : i1 to i32
        %cond3A = arith.constant 0 : i32
        %cond3A_162 = arith.cmpi ne, %convert_element_type3A, %cond3A : i32
        scf.if %cond3A_162 {
          "tpu.trace_start"() <{level = 10 : i32, message = "ep_copy_in"}> : () -> ()
          %rem3A_263 = arith.constant 2 : i32
          %rem3A_264 = arith.remui %scan3A_122, %rem3A_263 : i32
          %mul3A_265 = arith.constant 512 : i32
          %mul3A_266 = arith.muli %mul3A_265, %add3A_149 : i32
          %dma_start3A_267 = arith.constant 0 : i32
          %dma_start3A_268 = arith.constant 0 : i32
          %dma_start3A_269 = tpu.memref_slice %run_scoped3A[%rem3A_264, %dma_start3A_267, %dma_start3A_268] : memref<2x1x512xi32, #tpu.memory_space<vmem>> -> memref<1x1x512xi32, #tpu.memory_space<vmem>>
          %dma_start3A_270 = tpu.memref_squeeze %dma_start3A_269 : memref<1x1x512xi32, #tpu.memory_space<vmem>> -> memref<1x512xi32, #tpu.memory_space<vmem>>
          %dma_start3A_271 = arith.constant 0 : i32
          %dma_start3A_272 = tpu.memref_slice %arg3[%dma_start3A_271, %mul3A_266] : memref<1x327680xi32, #tpu.memory_space<hbm>> -> memref<1x512xi32, #tpu.memory_space<hbm>>
          %dma_start3A_273 = tpu.memref_slice %run_scoped3A_7[%rem3A_264] : memref<2x!tpu.dma_semaphore, #tpu.memory_space<semaphore_mem>> -> memref<1x!tpu.dma_semaphore, #tpu.memory_space<semaphore_mem>>
          %dma_start3A_274 = tpu.memref_squeeze %dma_start3A_273 : memref<1x!tpu.dma_semaphore, #tpu.memory_space<semaphore_mem>> -> memref<!tpu.dma_semaphore, #tpu.memory_space<semaphore_mem>>
          %dma_start3A_275 = arith.constant 0 : i32
          %dma_start3A_276 = arith.constant 0 : i32
          %dma_start3A_277 = tpu.memref_slice %run_scoped3A[%rem3A_264, %dma_start3A_275, %dma_start3A_276] : memref<2x1x512xi32, #tpu.memory_space<vmem>> -> memref<1x1x512xi32, #tpu.memory_space<vmem>>
          %dma_start3A_278 = tpu.memref_squeeze %dma_start3A_277 : memref<1x1x512xi32, #tpu.memory_space<vmem>> -> memref<1x512xi32, #tpu.memory_space<vmem>>
          %dma_start3A_279 = arith.constant 0 : i32
          %dma_start3A_280 = tpu.memref_slice %arg3[%dma_start3A_279, %mul3A_266] : memref<1x327680xi32, #tpu.memory_space<hbm>> -> memref<1x512xi32, #tpu.memory_space<hbm>>
          tpu.enqueue_dma source(%dma_start3A_280 : memref<1x512xi32, #tpu.memory_space<hbm>>) target(%dma_start3A_278 : memref<1x512xi32, #tpu.memory_space<vmem>>) target_semaphore(%dma_start3A_274 : memref<!tpu.dma_semaphore, #tpu.memory_space<semaphore_mem>>)
          "tpu.trace_stop"() : () -> ()
        } else {
        }
        %and3A_163 = arith.constant true
        %and3A_164 = arith.andi %and3A, %and3A_163 : i1
        %add3A_165 = arith.constant 1 : i32
        %add3A_166 = arith.addi %scan3A_122, %add3A_165 : i32
        %select_n3A_167 = arith.select %and3A_164, %add3A_166, %scan3A_122 : i32
        %ne3A_168 = arith.cmpi ne, %add3A_131, %add3A_149 : i32
        %or3A_169 = arith.constant false
        %or3A_170 = arith.ori %or3A_169, %ne3A_168 : i1
        %or3A_171 = arith.constant false
        %or3A_172 = arith.ori %or3A_170, %or3A_171 : i1
        %ge3A_173 = arith.constant 19 : i32
        %ge3A_174 = arith.cmpi sge, %scan3A_121, %ge3A_173 : i32
        %not3A_175 = arith.constant true
        %not3A_176 = arith.xori %ge3A_174, %not3A_175 : i1
        %and3A_177 = arith.andi %or3A_172, %not3A_176 : i1
        %ne3A_178 = arith.cmpi ne, %add3A_131, %add3A_140 : i32
        %or3A_179 = arith.constant false
        %or3A_180 = arith.ori %or3A_179, %ne3A_178 : i1
        %or3A_181 = arith.ori %or3A_180, %eq3A_128 : i1
        %convert_element_type3A_182 = arith.extui %or3A_181 : i1 to i32
        %cond3A_183 = arith.constant 0 : i32
        %cond3A_184 = arith.cmpi ne, %convert_element_type3A_182, %cond3A_183 : i32
        scf.if %cond3A_184 {
          "tpu.trace_start"() <{level = 10 : i32, message = "ep_wait_in"}> : () -> ()
          %mul3A_263 = arith.constant 512 : i32
          %mul3A_264 = arith.muli %mul3A_263, %add3A_131 : i32
          %rem3A_265 = arith.constant 2 : i32
          %rem3A_266 = arith.remui %scan3A_123, %rem3A_265 : i32
          %dma_wait3A_267 = arith.constant 0 : i32
          %dma_wait3A_268 = arith.constant 0 : i32
          %dma_wait3A_269 = tpu.memref_slice %run_scoped3A[%rem3A_266, %dma_wait3A_267, %dma_wait3A_268] : memref<2x1x512xi32, #tpu.memory_space<vmem>> -> memref<1x1x512xi32, #tpu.memory_space<vmem>>
          %dma_wait3A_270 = tpu.memref_squeeze %dma_wait3A_269 : memref<1x1x512xi32, #tpu.memory_space<vmem>> -> memref<1x512xi32, #tpu.memory_space<vmem>>
          %dma_wait3A_271 = arith.constant 0 : i32
          %dma_wait3A_272 = tpu.memref_slice %arg3[%dma_wait3A_271, %mul3A_264] : memref<1x327680xi32, #tpu.memory_space<hbm>> -> memref<1x512xi32, #tpu.memory_space<hbm>>
          %dma_wait3A_273 = tpu.memref_slice %run_scoped3A_7[%rem3A_266] : memref<2x!tpu.dma_semaphore, #tpu.memory_space<semaphore_mem>> -> memref<1x!tpu.dma_semaphore, #tpu.memory_space<semaphore_mem>>
          %dma_wait3A_274 = tpu.memref_squeeze %dma_wait3A_273 : memref<1x!tpu.dma_semaphore, #tpu.memory_space<semaphore_mem>> -> memref<!tpu.dma_semaphore, #tpu.memory_space<semaphore_mem>>
          %dma_wait3A_275 = arith.constant 0 : i32
          %dma_wait3A_276 = arith.constant 0 : i32
          %dma_wait3A_277 = tpu.memref_slice %run_scoped3A[%rem3A_266, %dma_wait3A_275, %dma_wait3A_276] : memref<2x1x512xi32, #tpu.memory_space<vmem>> -> memref<1x1x512xi32, #tpu.memory_space<vmem>>
          %dma_wait3A_278 = tpu.memref_squeeze %dma_wait3A_277 : memref<1x1x512xi32, #tpu.memory_space<vmem>> -> memref<1x512xi32, #tpu.memory_space<vmem>>
          %dma_wait3A_279 = arith.constant 0 : i32
          %dma_wait3A_280 = tpu.memref_slice %arg3[%dma_wait3A_279, %mul3A_264] : memref<1x327680xi32, #tpu.memory_space<hbm>> -> memref<1x512xi32, #tpu.memory_space<hbm>>
          tpu.wait_dma2 semaphore(%dma_wait3A_274 : memref<!tpu.dma_semaphore, #tpu.memory_space<semaphore_mem>>) src(%dma_wait3A_280 : memref<1x512xi32, #tpu.memory_space<hbm>>) dst(%dma_wait3A_278 : memref<1x512xi32, #tpu.memory_space<vmem>>)
          "tpu.trace_stop"() : () -> ()
        } else {
        }
        %ne3A_185 = arith.cmpi ne, %add3A_131, %add3A_140 : i32
        %or3A_186 = arith.constant false
        %or3A_187 = arith.ori %or3A_186, %ne3A_185 : i1
        %or3A_188 = arith.constant false
        %or3A_189 = arith.ori %or3A_187, %or3A_188 : i1
        %or3A_190 = arith.ori %or3A_189, %eq3A_128 : i1
        %convert_element_type3A_191 = arith.extui %or3A_190 : i1 to i32
        %cond3A_192 = arith.constant 0 : i32
        %cond3A_193 = arith.cmpi ne, %convert_element_type3A_191, %cond3A_192 : i32
        scf.if %cond3A_193 {
        } else {
        }
        %rem3A_194 = arith.constant 2 : i32
        %rem3A_195 = arith.remui %scan3A_123, %rem3A_194 : i32
        %rem3A_196 = arith.constant 2 : i32
        %rem3A_197 = arith.remui %scan3A_124, %rem3A_196 : i32
        "tpu.trace_start"() <{level = 10 : i32, message = "ep_run_kernel"}> : () -> ()
        "tpu.region"() ({
          %run_scoped3A_263 = tpu.sem_alloc : memref<!tpu.dma_semaphore, #tpu.memory_space<semaphore_mem>>
          %dma_start3A_264 = arith.constant 0 : i32
          %dma_start3A_265 = arith.constant 0 : i32
          %dma_start3A_266 = arith.constant 0 : i32
          %dma_start3A_267 = tpu.memref_slice %run_scoped3A_8[%rem3A_197, %dma_start3A_265, %dma_start3A_266] : memref<2x512x32xf32, #tpu.memory_space<vmem>> -> memref<1x512x32xf32, #tpu.memory_space<vmem>>
          %dma_start3A_268 = tpu.memref_squeeze %dma_start3A_267 : memref<1x512x32xf32, #tpu.memory_space<vmem>> -> memref<512x32xf32, #tpu.memory_space<vmem>>
          %dma_start3A_269 = arith.constant 0 : i32
          %dma_start3A_270 = arith.constant 0 : i32
          %dma_start3A_271 = tpu.memref_slice %dma_start3A_268[%dma_start3A_269, %dma_start3A_270] : memref<512x32xf32, #tpu.memory_space<vmem>> -> memref<128x32xf32, #tpu.memory_space<vmem>>
          %dma_start3A_272 = arith.constant 0 : i32
          %dma_start3A_273 = arith.constant 0 : i32
          %dma_start3A_274 = tpu.memref_slice %run_scoped3A[%rem3A_195, %dma_start3A_272, %dma_start3A_273] : memref<2x1x512xi32, #tpu.memory_space<vmem>> -> memref<1x1x512xi32, #tpu.memory_space<vmem>>
          %dma_start3A_275 = tpu.memref_squeeze %dma_start3A_274 : memref<1x1x512xi32, #tpu.memory_space<vmem>> -> memref<1x512xi32, #tpu.memory_space<vmem>>
          %dma_start3A_276 = arith.constant 0 : i32
          %dma_start3A_277 = tpu.memref_slice %dma_start3A_275[%dma_start3A_264, %dma_start3A_276] : memref<1x512xi32, #tpu.memory_space<vmem>> -> memref<1x128xi32, #tpu.memory_space<vmem>>
          %dma_start3A_278 = tpu.memref_squeeze %dma_start3A_277 : memref<1x128xi32, #tpu.memory_space<vmem>> -> memref<128xi32, #tpu.memory_space<vmem>>
          %dma_start3A_279 = arith.constant 0 : i32
          %dma_start3A_280 = arith.constant 0 : i32
          %dma_start3A_281 = tpu.memref_slice %arg2[%dma_start3A_279, %dma_start3A_280] : memref<1003520x32xf32, #tpu.memory_space<hbm>> -> memref<1003520x32xf32, #tpu.memory_space<hbm>>
          tpu.enqueue_indirect_dma source(%dma_start3A_281 : memref<1003520x32xf32, #tpu.memory_space<hbm>>) target(%dma_start3A_271 : memref<128x32xf32, #tpu.memory_space<vmem>>) offsets(%dma_start3A_278 : memref<128xi32, #tpu.memory_space<vmem>>) semaphore(%run_scoped3A_263 : memref<!tpu.dma_semaphore, #tpu.memory_space<semaphore_mem>>)
          %dma_start3A_282 = arith.constant 0 : i32
          %dma_start3A_283 = arith.constant 0 : i32
          %dma_start3A_284 = arith.constant 0 : i32
          %dma_start3A_285 = tpu.memref_slice %run_scoped3A_8[%rem3A_197, %dma_start3A_283, %dma_start3A_284] : memref<2x512x32xf32, #tpu.memory_space<vmem>> -> memref<1x512x32xf32, #tpu.memory_space<vmem>>
          %dma_start3A_286 = tpu.memref_squeeze %dma_start3A_285 : memref<1x512x32xf32, #tpu.memory_space<vmem>> -> memref<512x32xf32, #tpu.memory_space<vmem>>
          %dma_start3A_287 = arith.constant 128 : i32
          %dma_start3A_288 = arith.constant 0 : i32
          %dma_start3A_289 = tpu.memref_slice %dma_start3A_286[%dma_start3A_287, %dma_start3A_288] : memref<512x32xf32, #tpu.memory_space<vmem>> -> memref<128x32xf32, #tpu.memory_space<vmem>>
          %dma_start3A_290 = arith.constant 0 : i32
          %dma_start3A_291 = arith.constant 0 : i32
          %dma_start3A_292 = tpu.memref_slice %run_scoped3A[%rem3A_195, %dma_start3A_290, %dma_start3A_291] : memref<2x1x512xi32, #tpu.memory_space<vmem>> -> memref<1x1x512xi32, #tpu.memory_space<vmem>>
          %dma_start3A_293 = tpu.memref_squeeze %dma_start3A_292 : memref<1x1x512xi32, #tpu.memory_space<vmem>> -> memref<1x512xi32, #tpu.memory_space<vmem>>
          %dma_start3A_294 = arith.constant 128 : i32
          %dma_start3A_295 = tpu.memref_slice %dma_start3A_293[%dma_start3A_282, %dma_start3A_294] : memref<1x512xi32, #tpu.memory_space<vmem>> -> memref<1x128xi32, #tpu.memory_space<vmem>>
          %dma_start3A_296 = tpu.memref_squeeze %dma_start3A_295 : memref<1x128xi32, #tpu.memory_space<vmem>> -> memref<128xi32, #tpu.memory_space<vmem>>
          %dma_start3A_297 = arith.constant 0 : i32
          %dma_start3A_298 = arith.constant 0 : i32
          %dma_start3A_299 = tpu.memref_slice %arg2[%dma_start3A_297, %dma_start3A_298] : memref<1003520x32xf32, #tpu.memory_space<hbm>> -> memref<1003520x32xf32, #tpu.memory_space<hbm>>
          tpu.enqueue_indirect_dma source(%dma_start3A_299 : memref<1003520x32xf32, #tpu.memory_space<hbm>>) target(%dma_start3A_289 : memref<128x32xf32, #tpu.memory_space<vmem>>) offsets(%dma_start3A_296 : memref<128xi32, #tpu.memory_space<vmem>>) semaphore(%run_scoped3A_263 : memref<!tpu.dma_semaphore, #tpu.memory_space<semaphore_mem>>)
          %dma_start3A_300 = arith.constant 0 : i32
          %dma_start3A_301 = arith.constant 0 : i32
          %dma_start3A_302 = arith.constant 0 : i32
          %dma_start3A_303 = tpu.memref_slice %run_scoped3A_8[%rem3A_197, %dma_start3A_301, %dma_start3A_302] : memref<2x512x32xf32, #tpu.memory_space<vmem>> -> memref<1x512x32xf32, #tpu.memory_space<vmem>>
          %dma_start3A_304 = tpu.memref_squeeze %dma_start3A_303 : memref<1x512x32xf32, #tpu.memory_space<vmem>> -> memref<512x32xf32, #tpu.memory_space<vmem>>
          %dma_start3A_305 = arith.constant 256 : i32
          %dma_start3A_306 = arith.constant 0 : i32
          %dma_start3A_307 = tpu.memref_slice %dma_start3A_304[%dma_start3A_305, %dma_start3A_306] : memref<512x32xf32, #tpu.memory_space<vmem>> -> memref<128x32xf32, #tpu.memory_space<vmem>>
          %dma_start3A_308 = arith.constant 0 : i32
          %dma_start3A_309 = arith.constant 0 : i32
          %dma_start3A_310 = tpu.memref_slice %run_scoped3A[%rem3A_195, %dma_start3A_308, %dma_start3A_309] : memref<2x1x512xi32, #tpu.memory_space<vmem>> -> memref<1x1x512xi32, #tpu.memory_space<vmem>>
          %dma_start3A_311 = tpu.memref_squeeze %dma_start3A_310 : memref<1x1x512xi32, #tpu.memory_space<vmem>> -> memref<1x512xi32, #tpu.memory_space<vmem>>
          %dma_start3A_312 = arith.constant 256 : i32
          %dma_start3A_313 = tpu.memref_slice %dma_start3A_311[%dma_start3A_300, %dma_start3A_312] : memref<1x512xi32, #tpu.memory_space<vmem>> -> memref<1x128xi32, #tpu.memory_space<vmem>>
          %dma_start3A_314 = tpu.memref_squeeze %dma_start3A_313 : memref<1x128xi32, #tpu.memory_space<vmem>> -> memref<128xi32, #tpu.memory_space<vmem>>
          %dma_start3A_315 = arith.constant 0 : i32
          %dma_start3A_316 = arith.constant 0 : i32
          %dma_start3A_317 = tpu.memref_slice %arg2[%dma_start3A_315, %dma_start3A_316] : memref<1003520x32xf32, #tpu.memory_space<hbm>> -> memref<1003520x32xf32, #tpu.memory_space<hbm>>
          tpu.enqueue_indirect_dma source(%dma_start3A_317 : memref<1003520x32xf32, #tpu.memory_space<hbm>>) target(%dma_start3A_307 : memref<128x32xf32, #tpu.memory_space<vmem>>) offsets(%dma_start3A_314 : memref<128xi32, #tpu.memory_space<vmem>>) semaphore(%run_scoped3A_263 : memref<!tpu.dma_semaphore, #tpu.memory_space<semaphore_mem>>)
          %dma_start3A_318 = arith.constant 0 : i32
          %dma_start3A_319 = arith.constant 0 : i32
          %dma_start3A_320 = arith.constant 0 : i32
          %dma_start3A_321 = tpu.memref_slice %run_scoped3A_8[%rem3A_197, %dma_start3A_319, %dma_start3A_320] : memref<2x512x32xf32, #tpu.memory_space<vmem>> -> memref<1x512x32xf32, #tpu.memory_space<vmem>>
          %dma_start3A_322 = tpu.memref_squeeze %dma_start3A_321 : memref<1x512x32xf32, #tpu.memory_space<vmem>> -> memref<512x32xf32, #tpu.memory_space<vmem>>
          %dma_start3A_323 = arith.constant 384 : i32
          %dma_start3A_324 = arith.constant 0 : i32
          %dma_start3A_325 = tpu.memref_slice %dma_start3A_322[%dma_start3A_323, %dma_start3A_324] : memref<512x32xf32, #tpu.memory_space<vmem>> -> memref<128x32xf32, #tpu.memory_space<vmem>>
          %dma_start3A_326 = arith.constant 0 : i32
          %dma_start3A_327 = arith.constant 0 : i32
          %dma_start3A_328 = tpu.memref_slice %run_scoped3A[%rem3A_195, %dma_start3A_326, %dma_start3A_327] : memref<2x1x512xi32, #tpu.memory_space<vmem>> -> memref<1x1x512xi32, #tpu.memory_space<vmem>>
          %dma_start3A_329 = tpu.memref_squeeze %dma_start3A_328 : memref<1x1x512xi32, #tpu.memory_space<vmem>> -> memref<1x512xi32, #tpu.memory_space<vmem>>
          %dma_start3A_330 = arith.constant 384 : i32
          %dma_start3A_331 = tpu.memref_slice %dma_start3A_329[%dma_start3A_318, %dma_start3A_330] : memref<1x512xi32, #tpu.memory_space<vmem>> -> memref<1x128xi32, #tpu.memory_space<vmem>>
          %dma_start3A_332 = tpu.memref_squeeze %dma_start3A_331 : memref<1x128xi32, #tpu.memory_space<vmem>> -> memref<128xi32, #tpu.memory_space<vmem>>
          %dma_start3A_333 = arith.constant 0 : i32
          %dma_start3A_334 = arith.constant 0 : i32
          %dma_start3A_335 = tpu.memref_slice %arg2[%dma_start3A_333, %dma_start3A_334] : memref<1003520x32xf32, #tpu.memory_space<hbm>> -> memref<1003520x32xf32, #tpu.memory_space<hbm>>
          tpu.enqueue_indirect_dma source(%dma_start3A_335 : memref<1003520x32xf32, #tpu.memory_space<hbm>>) target(%dma_start3A_325 : memref<128x32xf32, #tpu.memory_space<vmem>>) offsets(%dma_start3A_332 : memref<128xi32, #tpu.memory_space<vmem>>) semaphore(%run_scoped3A_263 : memref<!tpu.dma_semaphore, #tpu.memory_space<semaphore_mem>>)
          %dma_wait3A_336 = arith.constant 0 : i32
          %dma_wait3A_337 = arith.constant 0 : i32
          %dma_wait3A_338 = arith.constant 0 : i32
          %dma_wait3A_339 = tpu.memref_slice %run_scoped3A_8[%rem3A_197, %dma_wait3A_337, %dma_wait3A_338] : memref<2x512x32xf32, #tpu.memory_space<vmem>> -> memref<1x512x32xf32, #tpu.memory_space<vmem>>
          %dma_wait3A_340 = tpu.memref_squeeze %dma_wait3A_339 : memref<1x512x32xf32, #tpu.memory_space<vmem>> -> memref<512x32xf32, #tpu.memory_space<vmem>>
          %dma_wait3A_341 = arith.constant 0 : i32
          %dma_wait3A_342 = arith.constant 0 : i32
          %dma_wait3A_343 = tpu.memref_slice %dma_wait3A_340[%dma_wait3A_341, %dma_wait3A_342] : memref<512x32xf32, #tpu.memory_space<vmem>> -> memref<128x32xf32, #tpu.memory_space<vmem>>
          %dma_wait3A_344 = arith.constant 0 : i32
          %dma_wait3A_345 = arith.constant 0 : i32
          %dma_wait3A_346 = tpu.memref_slice %run_scoped3A[%rem3A_195, %dma_wait3A_344, %dma_wait3A_345] : memref<2x1x512xi32, #tpu.memory_space<vmem>> -> memref<1x1x512xi32, #tpu.memory_space<vmem>>
          %dma_wait3A_347 = tpu.memref_squeeze %dma_wait3A_346 : memref<1x1x512xi32, #tpu.memory_space<vmem>> -> memref<1x512xi32, #tpu.memory_space<vmem>>
          %dma_wait3A_348 = arith.constant 0 : i32
          %dma_wait3A_349 = tpu.memref_slice %dma_wait3A_347[%dma_wait3A_336, %dma_wait3A_348] : memref<1x512xi32, #tpu.memory_space<vmem>> -> memref<1x128xi32, #tpu.memory_space<vmem>>
          %dma_wait3A_350 = tpu.memref_squeeze %dma_wait3A_349 : memref<1x128xi32, #tpu.memory_space<vmem>> -> memref<128xi32, #tpu.memory_space<vmem>>
          %dma_wait3A_351 = arith.constant 0 : i32
          %dma_wait3A_352 = arith.constant 0 : i32
          %dma_wait3A_353 = tpu.memref_slice %arg2[%dma_wait3A_351, %dma_wait3A_352] : memref<1003520x32xf32, #tpu.memory_space<hbm>> -> memref<1003520x32xf32, #tpu.memory_space<hbm>>
          tpu.wait_indirect_dma semaphore(%run_scoped3A_263 : memref<!tpu.dma_semaphore, #tpu.memory_space<semaphore_mem>>) src(%dma_wait3A_353 : memref<1003520x32xf32, #tpu.memory_space<hbm>>) dst(%dma_wait3A_343 : memref<128x32xf32, #tpu.memory_space<vmem>>)
          %dma_wait3A_354 = arith.constant 0 : i32
          %dma_wait3A_355 = arith.constant 0 : i32
          %dma_wait3A_356 = arith.constant 0 : i32
          %dma_wait3A_357 = tpu.memref_slice %run_scoped3A_8[%rem3A_197, %dma_wait3A_355, %dma_wait3A_356] : memref<2x512x32xf32, #tpu.memory_space<vmem>> -> memref<1x512x32xf32, #tpu.memory_space<vmem>>
          %dma_wait3A_358 = tpu.memref_squeeze %dma_wait3A_357 : memref<1x512x32xf32, #tpu.memory_space<vmem>> -> memref<512x32xf32, #tpu.memory_space<vmem>>
          %dma_wait3A_359 = arith.constant 128 : i32
          %dma_wait3A_360 = arith.constant 0 : i32
          %dma_wait3A_361 = tpu.memref_slice %dma_wait3A_358[%dma_wait3A_359, %dma_wait3A_360] : memref<512x32xf32, #tpu.memory_space<vmem>> -> memref<128x32xf32, #tpu.memory_space<vmem>>
          %dma_wait3A_362 = arith.constant 0 : i32
          %dma_wait3A_363 = arith.constant 0 : i32
          %dma_wait3A_364 = tpu.memref_slice %run_scoped3A[%rem3A_195, %dma_wait3A_362, %dma_wait3A_363] : memref<2x1x512xi32, #tpu.memory_space<vmem>> -> memref<1x1x512xi32, #tpu.memory_space<vmem>>
          %dma_wait3A_365 = tpu.memref_squeeze %dma_wait3A_364 : memref<1x1x512xi32, #tpu.memory_space<vmem>> -> memref<1x512xi32, #tpu.memory_space<vmem>>
          %dma_wait3A_366 = arith.constant 128 : i32
          %dma_wait3A_367 = tpu.memref_slice %dma_wait3A_365[%dma_wait3A_354, %dma_wait3A_366] : memref<1x512xi32, #tpu.memory_space<vmem>> -> memref<1x128xi32, #tpu.memory_space<vmem>>
          %dma_wait3A_368 = tpu.memref_squeeze %dma_wait3A_367 : memref<1x128xi32, #tpu.memory_space<vmem>> -> memref<128xi32, #tpu.memory_space<vmem>>
          %dma_wait3A_369 = arith.constant 0 : i32
          %dma_wait3A_370 = arith.constant 0 : i32
          %dma_wait3A_371 = tpu.memref_slice %arg2[%dma_wait3A_369, %dma_wait3A_370] : memref<1003520x32xf32, #tpu.memory_space<hbm>> -> memref<1003520x32xf32, #tpu.memory_space<hbm>>
          tpu.wait_indirect_dma semaphore(%run_scoped3A_263 : memref<!tpu.dma_semaphore, #tpu.memory_space<semaphore_mem>>) src(%dma_wait3A_371 : memref<1003520x32xf32, #tpu.memory_space<hbm>>) dst(%dma_wait3A_361 : memref<128x32xf32, #tpu.memory_space<vmem>>)
          %dma_wait3A_372 = arith.constant 0 : i32
          %dma_wait3A_373 = arith.constant 0 : i32
          %dma_wait3A_374 = arith.constant 0 : i32
          %dma_wait3A_375 = tpu.memref_slice %run_scoped3A_8[%rem3A_197, %dma_wait3A_373, %dma_wait3A_374] : memref<2x512x32xf32, #tpu.memory_space<vmem>> -> memref<1x512x32xf32, #tpu.memory_space<vmem>>
          %dma_wait3A_376 = tpu.memref_squeeze %dma_wait3A_375 : memref<1x512x32xf32, #tpu.memory_space<vmem>> -> memref<512x32xf32, #tpu.memory_space<vmem>>
          %dma_wait3A_377 = arith.constant 256 : i32
          %dma_wait3A_378 = arith.constant 0 : i32
          %dma_wait3A_379 = tpu.memref_slice %dma_wait3A_376[%dma_wait3A_377, %dma_wait3A_378] : memref<512x32xf32, #tpu.memory_space<vmem>> -> memref<128x32xf32, #tpu.memory_space<vmem>>
          %dma_wait3A_380 = arith.constant 0 : i32
          %dma_wait3A_381 = arith.constant 0 : i32
          %dma_wait3A_382 = tpu.memref_slice %run_scoped3A[%rem3A_195, %dma_wait3A_380, %dma_wait3A_381] : memref<2x1x512xi32, #tpu.memory_space<vmem>> -> memref<1x1x512xi32, #tpu.memory_space<vmem>>
          %dma_wait3A_383 = tpu.memref_squeeze %dma_wait3A_382 : memref<1x1x512xi32, #tpu.memory_space<vmem>> -> memref<1x512xi32, #tpu.memory_space<vmem>>
          %dma_wait3A_384 = arith.constant 256 : i32
          %dma_wait3A_385 = tpu.memref_slice %dma_wait3A_383[%dma_wait3A_372, %dma_wait3A_384] : memref<1x512xi32, #tpu.memory_space<vmem>> -> memref<1x128xi32, #tpu.memory_space<vmem>>
          %dma_wait3A_386 = tpu.memref_squeeze %dma_wait3A_385 : memref<1x128xi32, #tpu.memory_space<vmem>> -> memref<128xi32, #tpu.memory_space<vmem>>
          %dma_wait3A_387 = arith.constant 0 : i32
          %dma_wait3A_388 = arith.constant 0 : i32
          %dma_wait3A_389 = tpu.memref_slice %arg2[%dma_wait3A_387, %dma_wait3A_388] : memref<1003520x32xf32, #tpu.memory_space<hbm>> -> memref<1003520x32xf32, #tpu.memory_space<hbm>>
          tpu.wait_indirect_dma semaphore(%run_scoped3A_263 : memref<!tpu.dma_semaphore, #tpu.memory_space<semaphore_mem>>) src(%dma_wait3A_389 : memref<1003520x32xf32, #tpu.memory_space<hbm>>) dst(%dma_wait3A_379 : memref<128x32xf32, #tpu.memory_space<vmem>>)
          %dma_wait3A_390 = arith.constant 0 : i32
          %dma_wait3A_391 = arith.constant 0 : i32
          %dma_wait3A_392 = arith.constant 0 : i32
          %dma_wait3A_393 = tpu.memref_slice %run_scoped3A_8[%rem3A_197, %dma_wait3A_391, %dma_wait3A_392] : memref<2x512x32xf32, #tpu.memory_space<vmem>> -> memref<1x512x32xf32, #tpu.memory_space<vmem>>
          %dma_wait3A_394 = tpu.memref_squeeze %dma_wait3A_393 : memref<1x512x32xf32, #tpu.memory_space<vmem>> -> memref<512x32xf32, #tpu.memory_space<vmem>>
          %dma_wait3A_395 = arith.constant 384 : i32
          %dma_wait3A_396 = arith.constant 0 : i32
          %dma_wait3A_397 = tpu.memref_slice %dma_wait3A_394[%dma_wait3A_395, %dma_wait3A_396] : memref<512x32xf32, #tpu.memory_space<vmem>> -> memref<128x32xf32, #tpu.memory_space<vmem>>
          %dma_wait3A_398 = arith.constant 0 : i32
          %dma_wait3A_399 = arith.constant 0 : i32
          %dma_wait3A_400 = tpu.memref_slice %run_scoped3A[%rem3A_195, %dma_wait3A_398, %dma_wait3A_399] : memref<2x1x512xi32, #tpu.memory_space<vmem>> -> memref<1x1x512xi32, #tpu.memory_space<vmem>>
          %dma_wait3A_401 = tpu.memref_squeeze %dma_wait3A_400 : memref<1x1x512xi32, #tpu.memory_space<vmem>> -> memref<1x512xi32, #tpu.memory_space<vmem>>
          %dma_wait3A_402 = arith.constant 384 : i32
          %dma_wait3A_403 = tpu.memref_slice %dma_wait3A_401[%dma_wait3A_390, %dma_wait3A_402] : memref<1x512xi32, #tpu.memory_space<vmem>> -> memref<1x128xi32, #tpu.memory_space<vmem>>
          %dma_wait3A_404 = tpu.memref_squeeze %dma_wait3A_403 : memref<1x128xi32, #tpu.memory_space<vmem>> -> memref<128xi32, #tpu.memory_space<vmem>>
          %dma_wait3A_405 = arith.constant 0 : i32
          %dma_wait3A_406 = arith.constant 0 : i32
          %dma_wait3A_407 = tpu.memref_slice %arg2[%dma_wait3A_405, %dma_wait3A_406] : memref<1003520x32xf32, #tpu.memory_space<hbm>> -> memref<1003520x32xf32, #tpu.memory_space<hbm>>
          tpu.wait_indirect_dma semaphore(%run_scoped3A_263 : memref<!tpu.dma_semaphore, #tpu.memory_space<semaphore_mem>>) src(%dma_wait3A_407 : memref<1003520x32xf32, #tpu.memory_space<hbm>>) dst(%dma_wait3A_397 : memref<128x32xf32, #tpu.memory_space<vmem>>)
          tpu.yield
        }) : () -> ()
        "tpu.trace_stop"() : () -> ()
        %ne3A_198 = arith.cmpi ne, %add3A_131, %add3A_149 : i32
        %or3A_199 = arith.constant false
        %or3A_200 = arith.ori %or3A_199, %ne3A_198 : i1
        %or3A_201 = arith.ori %or3A_200, %eq3A_130 : i1
        %convert_element_type3A_202 = arith.extui %or3A_201 : i1 to i32
        %cond3A_203 = arith.constant 0 : i32
        %cond3A_204 = arith.cmpi ne, %convert_element_type3A_202, %cond3A_203 : i32
        scf.if %cond3A_204 {
        } else {
        }
        %and3A_205 = arith.constant false
        %and3A_206 = arith.andi %or3A_201, %and3A_205 : i1
        %ne3A_207 = arith.cmpi ne, %add3A_131, %add3A_149 : i32
        %or3A_208 = arith.constant false
        %or3A_209 = arith.ori %or3A_208, %ne3A_207 : i1
        %or3A_210 = arith.constant false
        %or3A_211 = arith.ori %or3A_209, %or3A_210 : i1
        %or3A_212 = arith.ori %or3A_211, %eq3A_130 : i1
        %convert_element_type3A_213 = arith.extui %or3A_212 : i1 to i32
        %cond3A_214 = arith.constant 0 : i32
        %cond3A_215 = arith.cmpi ne, %convert_element_type3A_213, %cond3A_214 : i32
        scf.if %cond3A_215 {
          "tpu.trace_start"() <{level = 10 : i32, message = "ep_copy_out"}> : () -> ()
          %rem3A_263 = arith.constant 2 : i32
          %rem3A_264 = arith.remui %scan3A_124, %rem3A_263 : i32
          %mul3A_265 = arith.constant 512 : i32
          %mul3A_266 = arith.muli %mul3A_265, %add3A_131 : i32
          %dma_start3A_267 = arith.constant 0 : i32
          %dma_start3A_268 = arith.constant 0 : i32
          %dma_start3A_269 = tpu.memref_slice %run_scoped3A_8[%rem3A_264, %dma_start3A_267, %dma_start3A_268] : memref<2x512x32xf32, #tpu.memory_space<vmem>> -> memref<1x512x32xf32, #tpu.memory_space<vmem>>
          %dma_start3A_270 = tpu.memref_squeeze %dma_start3A_269 : memref<1x512x32xf32, #tpu.memory_space<vmem>> -> memref<512x32xf32, #tpu.memory_space<vmem>>
          %dma_start3A_271 = arith.constant 0 : i32
          %dma_start3A_272 = tpu.memref_slice %arg4[%mul3A_266, %dma_start3A_271] : memref<327680x32xf32, #tpu.memory_space<hbm>> -> memref<512x32xf32, #tpu.memory_space<hbm>>
          %dma_start3A_273 = tpu.memref_slice %run_scoped3A_9[%rem3A_264] : memref<2x!tpu.dma_semaphore, #tpu.memory_space<semaphore_mem>> -> memref<1x!tpu.dma_semaphore, #tpu.memory_space<semaphore_mem>>
          %dma_start3A_274 = tpu.memref_squeeze %dma_start3A_273 : memref<1x!tpu.dma_semaphore, #tpu.memory_space<semaphore_mem>> -> memref<!tpu.dma_semaphore, #tpu.memory_space<semaphore_mem>>
          %dma_start3A_275 = arith.constant 0 : i32
          %dma_start3A_276 = tpu.memref_slice %arg4[%mul3A_266, %dma_start3A_275] : memref<327680x32xf32, #tpu.memory_space<hbm>> -> memref<512x32xf32, #tpu.memory_space<hbm>>
          %dma_start3A_277 = arith.constant 0 : i32
          %dma_start3A_278 = arith.constant 0 : i32
          %dma_start3A_279 = tpu.memref_slice %run_scoped3A_8[%rem3A_264, %dma_start3A_277, %dma_start3A_278] : memref<2x512x32xf32, #tpu.memory_space<vmem>> -> memref<1x512x32xf32, #tpu.memory_space<vmem>>
          %dma_start3A_280 = tpu.memref_squeeze %dma_start3A_279 : memref<1x512x32xf32, #tpu.memory_space<vmem>> -> memref<512x32xf32, #tpu.memory_space<vmem>>
          tpu.enqueue_dma source(%dma_start3A_280 : memref<512x32xf32, #tpu.memory_space<vmem>>) target(%dma_start3A_276 : memref<512x32xf32, #tpu.memory_space<hbm>>) target_semaphore(%dma_start3A_274 : memref<!tpu.dma_semaphore, #tpu.memory_space<semaphore_mem>>)
          "tpu.trace_stop"() : () -> ()
        } else {
        }
        %and3A_216 = arith.constant true
        %and3A_217 = arith.andi %or3A_212, %and3A_216 : i1
        %add3A_218 = arith.constant 1 : i32
        %add3A_219 = arith.addi %scan3A_124, %add3A_218 : i32
        %select_n3A_220 = arith.select %and3A_217, %add3A_219, %scan3A_124 : i32
        %ne3A_221 = arith.cmpi ne, %add3A_131, %add3A_140 : i32
        %or3A_222 = arith.constant false
        %or3A_223 = arith.ori %or3A_222, %ne3A_221 : i1
        %not3A_224 = arith.constant true
        %not3A_225 = arith.xori %eq3A_128, %not3A_224 : i1
        %and3A_226 = arith.andi %or3A_223, %not3A_225 : i1
        %convert_element_type3A_227 = arith.extui %and3A_226 : i1 to i32
        %cond3A_228 = arith.constant 0 : i32
        %cond3A_229 = arith.cmpi ne, %convert_element_type3A_227, %cond3A_228 : i32
        scf.if %cond3A_229 {
        } else {
        }
        %and3A_230 = arith.constant false
        %and3A_231 = arith.andi %and3A_226, %and3A_230 : i1
        %ne3A_232 = arith.cmpi ne, %add3A_131, %add3A_140 : i32
        %or3A_233 = arith.constant false
        %or3A_234 = arith.ori %or3A_233, %ne3A_232 : i1
        %or3A_235 = arith.constant false
        %or3A_236 = arith.ori %or3A_234, %or3A_235 : i1
        %not3A_237 = arith.constant true
        %not3A_238 = arith.xori %eq3A_128, %not3A_237 : i1
        %and3A_239 = arith.andi %or3A_236, %not3A_238 : i1
        %convert_element_type3A_240 = arith.extui %and3A_239 : i1 to i32
        %cond3A_241 = arith.constant 0 : i32
        %cond3A_242 = arith.cmpi ne, %convert_element_type3A_240, %cond3A_241 : i32
        scf.if %cond3A_242 {
          "tpu.trace_start"() <{level = 10 : i32, message = "ep_wait_out"}> : () -> ()
          %rem3A_263 = arith.constant 2 : i32
          %rem3A_264 = arith.remui %scan3A_125, %rem3A_263 : i32
          %mul3A_265 = arith.constant 512 : i32
          %mul3A_266 = arith.muli %mul3A_265, %add3A_140 : i32
          %dma_wait3A_267 = arith.constant 0 : i32
          %dma_wait3A_268 = arith.constant 0 : i32
          %dma_wait3A_269 = tpu.memref_slice %run_scoped3A_8[%rem3A_264, %dma_wait3A_267, %dma_wait3A_268] : memref<2x512x32xf32, #tpu.memory_space<vmem>> -> memref<1x512x32xf32, #tpu.memory_space<vmem>>
          %dma_wait3A_270 = tpu.memref_squeeze %dma_wait3A_269 : memref<1x512x32xf32, #tpu.memory_space<vmem>> -> memref<512x32xf32, #tpu.memory_space<vmem>>
          %dma_wait3A_271 = arith.constant 0 : i32
          %dma_wait3A_272 = tpu.memref_slice %arg4[%mul3A_266, %dma_wait3A_271] : memref<327680x32xf32, #tpu.memory_space<hbm>> -> memref<512x32xf32, #tpu.memory_space<hbm>>
          %dma_wait3A_273 = tpu.memref_slice %run_scoped3A_9[%rem3A_264] : memref<2x!tpu.dma_semaphore, #tpu.memory_space<semaphore_mem>> -> memref<1x!tpu.dma_semaphore, #tpu.memory_space<semaphore_mem>>
          %dma_wait3A_274 = tpu.memref_squeeze %dma_wait3A_273 : memref<1x!tpu.dma_semaphore, #tpu.memory_space<semaphore_mem>> -> memref<!tpu.dma_semaphore, #tpu.memory_space<semaphore_mem>>
          %dma_wait3A_275 = arith.constant 0 : i32
          %dma_wait3A_276 = tpu.memref_slice %arg4[%mul3A_266, %dma_wait3A_275] : memref<327680x32xf32, #tpu.memory_space<hbm>> -> memref<512x32xf32, #tpu.memory_space<hbm>>
          %dma_wait3A_277 = arith.constant 0 : i32
          %dma_wait3A_278 = arith.constant 0 : i32
          %dma_wait3A_279 = tpu.memref_slice %run_scoped3A_8[%rem3A_264, %dma_wait3A_277, %dma_wait3A_278] : memref<2x512x32xf32, #tpu.memory_space<vmem>> -> memref<1x512x32xf32, #tpu.memory_space<vmem>>
          %dma_wait3A_280 = tpu.memref_squeeze %dma_wait3A_279 : memref<1x512x32xf32, #tpu.memory_space<vmem>> -> memref<512x32xf32, #tpu.memory_space<vmem>>
          tpu.wait_dma2 semaphore(%dma_wait3A_274 : memref<!tpu.dma_semaphore, #tpu.memory_space<semaphore_mem>>) src(%dma_wait3A_280 : memref<512x32xf32, #tpu.memory_space<vmem>>) dst(%dma_wait3A_276 : memref<512x32xf32, #tpu.memory_space<hbm>>)
          "tpu.trace_stop"() : () -> ()
        } else {
        }
        %and3A_243 = arith.constant true
        %and3A_244 = arith.andi %and3A_239, %and3A_243 : i1
        %add3A_245 = arith.constant 1 : i32
        %add3A_246 = arith.addi %scan3A_125, %add3A_245 : i32
        %select_n3A_247 = arith.select %and3A_244, %add3A_246, %scan3A_125 : i32
        %ne3A_248 = arith.cmpi ne, %add3A_131, %add3A_149 : i32
        %or3A_249 = arith.constant false
        %or3A_250 = arith.ori %or3A_249, %ne3A_248 : i1
        %or3A_251 = arith.ori %or3A_250, %eq3A_130 : i1
        %add3A_252 = arith.constant 1 : i32
        %add3A_253 = arith.addi %scan3A_123, %add3A_252 : i32
        %select_n3A_254 = arith.select %or3A_251, %add3A_253, %scan3A_123 : i32
        %add3A_255 = arith.constant 1 : i32
        %add3A_256 = arith.addi %scan3A_126, %add3A_255 : i32
        %select_n3A_257 = arith.constant true
        %select_n3A_258 = arith.select %select_n3A_257, %add3A_256, %scan3A_126 : i32
        %eq3A_259 = arith.constant 20 : i32
        %eq3A_260 = arith.cmpi eq, %select_n3A_258, %eq3A_259 : i32
        %select_n3A_261 = arith.constant 0 : i32
        %select_n3A_262 = arith.select %eq3A_260, %select_n3A_261, %select_n3A_258 : i32
        scf.yield %select_n3A_167, %select_n3A_254, %select_n3A_220, %select_n3A_247, %select_n3A_262 : i32, i32, i32, i32, i32
      }
      %scan3A_68 = arith.constant 20 : i32
      %sub3A = arith.constant 1 : i32
      %sub3A_69 = arith.subi %scan3A_67#4, %sub3A : i32
      %select_n3A_70 = arith.constant true
      %select_n3A_71 = arith.select %select_n3A_70, %sub3A_69, %scan3A_67#4 : i32
      %eq3A_72 = arith.constant -1 : i32
      %eq3A_73 = arith.cmpi eq, %select_n3A_71, %eq3A_72 : i32
      %select_n3A_74 = arith.constant 19 : i32
      %select_n3A_75 = arith.select %eq3A_73, %select_n3A_74, %select_n3A_71 : i32
      %add3A_76 = arith.addi %select_n3A_75, %mul3A_6 : i32
      %sub3A_77 = arith.constant 1 : i32
      %sub3A_78 = arith.subi %select_n3A_75, %sub3A_77 : i32
      %select_n3A_79 = arith.constant true
      %select_n3A_80 = arith.select %select_n3A_79, %sub3A_78, %select_n3A_75 : i32
      %eq3A_81 = arith.constant -1 : i32
      %eq3A_82 = arith.cmpi eq, %select_n3A_80, %eq3A_81 : i32
      %select_n3A_83 = arith.constant 19 : i32
      %select_n3A_84 = arith.select %eq3A_82, %select_n3A_83, %select_n3A_80 : i32
      %add3A_85 = arith.addi %select_n3A_84, %mul3A_6 : i32
      %add3A_86 = arith.constant 1 : i32
      %add3A_87 = arith.addi %select_n3A_75, %add3A_86 : i32
      %select_n3A_88 = arith.constant true
      %select_n3A_89 = arith.select %select_n3A_88, %add3A_87, %select_n3A_75 : i32
      %eq3A_90 = arith.constant 20 : i32
      %eq3A_91 = arith.cmpi eq, %select_n3A_89, %eq3A_90 : i32
      %select_n3A_92 = arith.constant 0 : i32
      %select_n3A_93 = arith.select %eq3A_91, %select_n3A_92, %select_n3A_89 : i32
      %add3A_94 = arith.addi %select_n3A_93, %mul3A_6 : i32
      %add3A_95 = arith.constant 1 : i32
      %add3A_96 = arith.addi %select_n3A_93, %add3A_95 : i32
      %select_n3A_97 = arith.constant true
      %select_n3A_98 = arith.select %select_n3A_97, %add3A_96, %select_n3A_93 : i32
      %eq3A_99 = arith.constant 20 : i32
      %eq3A_100 = arith.cmpi eq, %select_n3A_98, %eq3A_99 : i32
      %select_n3A_101 = arith.constant 0 : i32
      %select_n3A_102 = arith.select %eq3A_100, %select_n3A_101, %select_n3A_98 : i32
      %add3A_103 = arith.addi %select_n3A_102, %mul3A_6 : i32
      "tpu.trace_start"() <{level = 10 : i32, message = "ep_finalize"}> : () -> ()
      %rem3A_104 = arith.constant 2 : i32
      %rem3A_105 = arith.remui %scan3A_67#3, %rem3A_104 : i32
      %mul3A_106 = arith.constant 512 : i32
      %mul3A_107 = arith.muli %mul3A_106, %add3A_76 : i32
      %dma_wait3A = arith.constant 0 : i32
      %dma_wait3A_108 = arith.constant 0 : i32
      %dma_wait3A_109 = tpu.memref_slice %run_scoped3A_8[%rem3A_105, %dma_wait3A, %dma_wait3A_108] : memref<2x512x32xf32, #tpu.memory_space<vmem>> -> memref<1x512x32xf32, #tpu.memory_space<vmem>>
      %dma_wait3A_110 = tpu.memref_squeeze %dma_wait3A_109 : memref<1x512x32xf32, #tpu.memory_space<vmem>> -> memref<512x32xf32, #tpu.memory_space<vmem>>
      %dma_wait3A_111 = arith.constant 0 : i32
      %dma_wait3A_112 = tpu.memref_slice %arg4[%mul3A_107, %dma_wait3A_111] : memref<327680x32xf32, #tpu.memory_space<hbm>> -> memref<512x32xf32, #tpu.memory_space<hbm>>
      %dma_wait3A_113 = tpu.memref_slice %run_scoped3A_9[%rem3A_105] : memref<2x!tpu.dma_semaphore, #tpu.memory_space<semaphore_mem>> -> memref<1x!tpu.dma_semaphore, #tpu.memory_space<semaphore_mem>>
      %dma_wait3A_114 = tpu.memref_squeeze %dma_wait3A_113 : memref<1x!tpu.dma_semaphore, #tpu.memory_space<semaphore_mem>> -> memref<!tpu.dma_semaphore, #tpu.memory_space<semaphore_mem>>
      %dma_wait3A_115 = arith.constant 0 : i32
      %dma_wait3A_116 = tpu.memref_slice %arg4[%mul3A_107, %dma_wait3A_115] : memref<327680x32xf32, #tpu.memory_space<hbm>> -> memref<512x32xf32, #tpu.memory_space<hbm>>
      %dma_wait3A_117 = arith.constant 0 : i32
      %dma_wait3A_118 = arith.constant 0 : i32
      %dma_wait3A_119 = tpu.memref_slice %run_scoped3A_8[%rem3A_105, %dma_wait3A_117, %dma_wait3A_118] : memref<2x512x32xf32, #tpu.memory_space<vmem>> -> memref<1x512x32xf32, #tpu.memory_space<vmem>>
      %dma_wait3A_120 = tpu.memref_squeeze %dma_wait3A_119 : memref<1x512x32xf32, #tpu.memory_space<vmem>> -> memref<512x32xf32, #tpu.memory_space<vmem>>
      tpu.wait_dma2 semaphore(%dma_wait3A_114 : memref<!tpu.dma_semaphore, #tpu.memory_space<semaphore_mem>>) src(%dma_wait3A_120 : memref<512x32xf32, #tpu.memory_space<vmem>>) dst(%dma_wait3A_116 : memref<512x32xf32, #tpu.memory_space<hbm>>)
      "tpu.trace_stop"() : () -> ()
      tpu.yield
    }) : () -> ()
    return
  }
}

module attributes {stable_mosaic.version = 14 : i64} {
  func.func @body(%arg0: i32, %arg1: memref<32x4096xf32, #tpu.memory_space<vmem>>, %arg2: memref<1024x128xf32, #tpu.memory_space<vmem>>) attributes {dimension_semantics = [#tpu.dimension_semantics<arbitrary>], iteration_bounds = array<i64: 245>, scalar_prefetch = 0 : i64, scratch_operands = 0 : i64, tpu.core_type = #tpu.core_type<tc>, window_params = [{transform_indices = @transform_0, window_bounds = array<i64: 32, 4096>}, {transform_indices = @transform_1, window_bounds = array<i64: 1024, 128>}]} {
    %get3A = arith.constant 0 : index
    %get3A_0 = arith.constant 0 : index
    %get3A_1 = vector.load %arg1[%get3A, %get3A_0] : memref<32x4096xf32, #tpu.memory_space<vmem>>, vector<32x1024xf32>
    %get3A_2 = arith.constant 0 : index
    %get3A_3 = arith.constant 1024 : index
    %get3A_4 = vector.load %arg1[%get3A_2, %get3A_3] : memref<32x4096xf32, #tpu.memory_space<vmem>>, vector<32x1024xf32>
    %get3A_5 = arith.constant 0 : index
    %get3A_6 = arith.constant 2048 : index
    %get3A_7 = vector.load %arg1[%get3A_5, %get3A_6] : memref<32x4096xf32, #tpu.memory_space<vmem>>, vector<32x1024xf32>
    %get3A_8 = arith.constant 0 : index
    %get3A_9 = arith.constant 3072 : index
    %get3A_10 = vector.load %arg1[%get3A_8, %get3A_9] : memref<32x4096xf32, #tpu.memory_space<vmem>>, vector<32x1024xf32>
    %concatenate3A = tpu.concatenate %get3A_1, %get3A_4, %get3A_7, %get3A_10 in 0 : vector<32x1024xf32>, vector<32x1024xf32>, vector<32x1024xf32>, vector<32x1024xf32> -> vector<128x1024xf32>
    %transpose3A = tpu.transpose %concatenate3A, [1, 0] : vector<128x1024xf32> -> vector<1024x128xf32>
    %swap3A = arith.constant 0 : index
    %swap3A_11 = arith.constant 0 : index
    %swap3A_12 = vector.load %arg2[%swap3A, %swap3A_11] : memref<1024x128xf32, #tpu.memory_space<vmem>>, vector<1024x128xf32>
    tpu.vector_store %arg2[%swap3A, %swap3A_11], %transpose3A {strides = array<i32>} : memref<1024x128xf32, #tpu.memory_space<vmem>>, vector<1024x128xf32>,
    return
  }
  func.func @transform_0(%arg0: i32) -> (i32, i32) {
    %c0_i32 = arith.constant 0 : i32
    %c0_i32_0 = arith.constant 0 : i32
    return %c0_i32, %arg0 : i32, i32
  }
  func.func @transform_1(%arg0: i32) -> (i32, i32) {
    %c0_i32 = arith.constant 0 : i32
    %c0_i32_0 = arith.constant 0 : i32
    return %arg0, %c0_i32 : i32, i32
  }
}

module attributes {stable_mosaic.version = 14 : i64} {
  func.func @body(%arg0: i32, %arg1: memref<1024x640xf32, #tpu.memory_space<vmem>>, %arg2: memref<640x128xf32, #tpu.memory_space<vmem>>, %arg3: memref<1x128xf32, #tpu.memory_space<vmem>>, %arg4: memref<1x128xf32, #tpu.memory_space<vmem>>, %arg5: memref<1x1xf32, #tpu.memory_space<vmem>>, %arg6: memref<1024x1xf32, #tpu.memory_space<vmem>>) attributes {dimension_semantics = [#tpu.dimension_semantics<arbitrary>], iteration_bounds = array<i64: 16>, scalar_prefetch = 0 : i64, scratch_operands = 0 : i64, tpu.core_type = #tpu.core_type<tc>, window_params = [{transform_indices = @transform_0, window_bounds = array<i64: 1024, 640>}, {pipeline_mode = #tpu.pipeline_mode<synchronous>, transform_indices = @transform_1, window_bounds = array<i64: 640, 128>}, {pipeline_mode = #tpu.pipeline_mode<synchronous>, transform_indices = @transform_2, window_bounds = array<i64: 1, 128>}, {pipeline_mode = #tpu.pipeline_mode<synchronous>, transform_indices = @transform_3, window_bounds = array<i64: 1, 128>}, {pipeline_mode = #tpu.pipeline_mode<synchronous>, transform_indices = @transform_4, window_bounds = array<i64: 1, 1>}, {transform_indices = @transform_5, window_bounds = array<i64: 1024, 1>}]} {
    %get3A = arith.constant 0 : index
    %get3A_0 = arith.constant 0 : index
    %get3A_1 = vector.load %arg1[%get3A, %get3A_0] : memref<1024x640xf32, #tpu.memory_space<vmem>>, vector<1024x640xf32>
    %get3A_2 = arith.constant 0 : index
    %get3A_3 = arith.constant 0 : index
    %get3A_4 = vector.load %arg2[%get3A_2, %get3A_3] : memref<640x128xf32, #tpu.memory_space<vmem>>, vector<640x128xf32>
    %dot_general3A = arith.constant dense<0.000000e+00> : vector<1024x128xf32>
    %dot_general3A_5 = tpu.matmul %get3A_1, %get3A_4, %dot_general3A {dimension_numbers = #tpu.dot_dimension_numbers<[1], [0], [0], [1], [0, 0, 1, 1], [], []>, transpose_lhs_hint = false} : vector<1024x640xf32>, vector<640x128xf32>, vector<1024x128xf32> -> vector<1024x128xf32>
    %get3A_6 = arith.constant 0 : index
    %get3A_7 = arith.constant 0 : index
    %get3A_8 = vector.load %arg3[%get3A_6, %get3A_7] : memref<1x128xf32, #tpu.memory_space<vmem>>, vector<1x128xf32>
    %add3A = vector.broadcast %get3A_8 : vector<1x128xf32> to vector<1024x128xf32>
    %add3A_9 = arith.addf %dot_general3A_5, %add3A : vector<1024x128xf32>
    %max3A = arith.constant 0.000000e+00 : f32
    %max3A_10 = vector.broadcast %max3A : f32 to vector<1024x128xf32>
    %max3A_11 = arith.maximumf %add3A_9, %max3A_10 : vector<1024x128xf32>
    %get3A_12 = arith.constant 0 : index
    %get3A_13 = arith.constant 0 : index
    %get3A_14 = vector.load %arg4[%get3A_12, %get3A_13] : memref<1x128xf32, #tpu.memory_space<vmem>>, vector<1x128xf32>
    %mul3A = vector.broadcast %get3A_14 : vector<1x128xf32> to vector<1024x128xf32>
    %mul3A_15 = arith.mulf %max3A_11, %mul3A : vector<1024x128xf32>
    %reduce_sum3A = arith.constant dense<0.000000e+00> : vector<1024xf32>
    %reduce_sum3A_16 = vector.multi_reduction <add>, %mul3A_15, %reduce_sum3A [1] : vector<1024x128xf32> to vector<1024xf32>
    %broadcast_in_dim3A = vector.shape_cast %reduce_sum3A_16 : vector<1024xf32> to vector<1024x1xf32>
    %get3A_17 = arith.constant 0 : index
    %get3A_18 = arith.constant 0 : index
    %get3A_19 = vector.load %arg5[%get3A_17, %get3A_18] : memref<1x1xf32, #tpu.memory_space<vmem>>, vector<1x1xf32>
    %get3A_20 = vector.extract %get3A_19[0, 0] : f32 from vector<1x1xf32>
    %add3A_21 = vector.broadcast %get3A_20 : f32 to vector<1024x1xf32>
    %add3A_22 = arith.addf %broadcast_in_dim3A, %add3A_21 : vector<1024x1xf32>
    %swap3A = arith.constant 0 : index
    %swap3A_23 = arith.constant 0 : index
    %swap3A_24 = vector.load %arg6[%swap3A, %swap3A_23] : memref<1024x1xf32, #tpu.memory_space<vmem>>, vector<1024x1xf32>
    tpu.vector_store %arg6[%swap3A, %swap3A_23], %add3A_22 {strides = array<i32>} : memref<1024x1xf32, #tpu.memory_space<vmem>>, vector<1024x1xf32>,
    return
  }
  func.func @transform_0(%arg0: i32) -> (i32, i32) {
    %c0_i32 = arith.constant 0 : i32
    %c0_i32_0 = arith.constant 0 : i32
    return %arg0, %c0_i32 : i32, i32
  }
  func.func @transform_1(%arg0: i32) -> (i32, i32) {
    %c0_i32 = arith.constant 0 : i32
    %c0_i32_0 = arith.constant 0 : i32
    %c0_i32_1 = arith.constant 0 : i32
    return %c0_i32, %c0_i32_0 : i32, i32
  }
  func.func @transform_2(%arg0: i32) -> (i32, i32) {
    %c0_i32 = arith.constant 0 : i32
    %c0_i32_0 = arith.constant 0 : i32
    %c0_i32_1 = arith.constant 0 : i32
    return %c0_i32, %c0_i32_0 : i32, i32
  }
  func.func @transform_3(%arg0: i32) -> (i32, i32) {
    %c0_i32 = arith.constant 0 : i32
    %c0_i32_0 = arith.constant 0 : i32
    %c0_i32_1 = arith.constant 0 : i32
    return %c0_i32, %c0_i32_0 : i32, i32
  }
  func.func @transform_4(%arg0: i32) -> (i32, i32) {
    %c0_i32 = arith.constant 0 : i32
    %c0_i32_0 = arith.constant 0 : i32
    %c0_i32_1 = arith.constant 0 : i32
    return %c0_i32, %c0_i32_0 : i32, i32
  }
  func.func @transform_5(%arg0: i32) -> (i32, i32) {
    %c0_i32 = arith.constant 0 : i32
    %c0_i32_0 = arith.constant 0 : i32
    return %arg0, %c0_i32 : i32, i32
  }
}

</mosaic_0001>

<sc_bundles>
// kernel: kernel.5.cloned.1.call-start
scs
__scs_entry_jumppad:
0x0: {  	(pc) =	sbr.rel $0x88, $3  }
0x1: {  	(tag) =	ssettag $0x0;
	lr =	simm.s32 $0x1  }
0x2: {  	[smem:$0x3F9B] =	sst lr;
	_ =	strace $0xD0000000  }
0x3: {  	_ = 	snop  }
0x4: {  	_ = 	snop  }
0x5: {  	_ = 	snop  }
0x6: {  	_ = 	snop  }
0x7: {  	_ = 	snop  }
__scs_overlays_trampoline_lowered:
0x8: {  	[smem:$0x3FAA] =	sst s0  }
0x9: {  	[smem:$0x3FAB] =	sst s1  }
0xa: {  	[smem:$0x3FAC] =	sst s2  }
0xb: {  	[smem:$0x3FAD] =	sst s3  }
0xc: {  	[smem:$0x3FAE] =	sst s4  }
0xd: {  	[smem:$0x3FAF] =	sst s5  }
0xe: {  	[smem:$0x3FB0] =	sst s6  }
0xf: {  	[smem:$0x3FB1] =	sst s7  }
0x10: {  	[smem:$0x3FB2] =	sst s8  }
0x11: {  	[smem:$0x3FB3] =	sst s9;
	s0 =	simm.s32 @!p0 $0x0  }
0x12: {  	s1 =	sld [smem:$0x3F99];
	s0 =	simm.s32 @p0 $0x1  }
0x13: {  	[smem:$0x3FB4] =	sst s0;
	s0 =	simm.s32 @!p1 $0x0  }
0x14: {  	s2 =	sld [smem:$0x3F98];
	s0 =	simm.s32 @p1 $0x1  }
0x15: {  	[smem:$0x3FB5] =	sst s0;
	s0 =	simm.s32 @!p2 $0x0  }
0x16: {  	s3 =	sld [smem:$0x3FDB];
	s0 =	simm.s32 @p2 $0x1  }
0x17: {  	s4 =	simm.s32 $0x1BF5;
	[smem:$0x3FB7] =	sst s0  }
0x18: {  	s0 =	sld [smem:$0x3F9A];
	_ =	swait.ge [sflag:s4], $0x0  }
0x19: {  	s7 =	sld [smem:$0x3F9B]  }
0x1a: {  	s8 =	sadd.s32 $0xFFFFE003, lr  }
0x1b: {  	s9 =	sadd.s32 $0xFFFFFEF7, lr;
	s5 =	simm.s32 $0xFFFFFFFF;
	p2 =	slt.u32 s8, $0xFFFFF086  }
0x1c: {  	p1 =	slt.u32 s9, $0xF7A;
	s5 =	simm.s32 @!p2 $0x0  }
0x1d: {  	s5 =	simm.s32 @p1 $0x1;
	p0 =	seq.s32 s7, s2  }
0x1e: {  	s7 =	smul.u32 @!p0 $0xF7A, s2;
	p2 =	seq.s32 @!p0 s5, $0x0  }
0x1f: {  	s9 =	smul.u32 $0xF7A, s1;
	s8 =	simm.s32 @!p0 $0x1BF5;
	p2 =	por !p2, p0  }
0x20: {  	[sflag:s8] =	ssyncset.s32 @!p0 $0xFFFFF086;
	s6 =	sadd.s32 @!p0 s3, s7;
	s7 =	simm.s32 @!p0 $0x108  }
0x21: {  	s3 =	sadd.s32 s3, s9;
	s6 =	sadd.s32 @!p0 $0x88, s6;
	s7 =	simm.s32 @p2 $0x1082  }
0x22: {  	[simem:s7], [sflag:s8] =	dma.local @!p0 [hbm:s6], $0xF7A  }
0x23: {  	s9 =	sor.u32 $0xD0000000, s2;
	s6 =	simm.s32 $0x108;
	_ =	swait.ge @!p0 [sflag:s8], $0x0  }
0x24: {  	s3 =	sadd.s32 $0x88, s3;
	s6 =	simm.s32 @!p1 $0x1082;
	[sflag:s4] =	ssyncset.s32 $0xFFFFF086  }
0x25: {  	[simem:s6], [sflag:s4] =	dma.local [hbm:s3], $0xF7A  }
0x26: {  	[smem:$0x3F9B] =	sst s1;
	(tag) =	ssettag s2;
	_ =	strace s9  }
0x27: {  	s1 =	sld [smem:$0x3FAB]  }
0x28: {  	s2 =	sld [smem:$0x3FAC]  }
0x29: {  	s4 =	sld [smem:$0x3FAE]  }
0x2a: {  	p0 =	seq.s32 s5, $0x0;
	s5 =	sld [smem:$0x3FAF]  }
0x2b: {  	s6 =	sld [smem:$0x3FB0]  }
0x2c: {  	s7 =	sld [smem:$0x3FB1]  }
0x2d: {  	s3 =	simm.s32 $0x108;
	s8 =	sld [smem:$0x3FB2]  }
0x2e: {  	s3 =	simm.s32 @!p0 $0x1082;
	s9 =	sld [smem:$0x3FB3]  }
0x2f: {  	lr =	sadd.s32 s0, s3;
	s0 =	sld [smem:$0x3FAA]  }
0x30: {  	s3 =	sld [smem:$0x3FAD]  }
0x31: {  	[smem:$0x3FB6] =	sst s10  }
0x32: {  	s10 =	sld [smem:$0x3FB4];
	_ =	sdelay $0x3  }
0x33: {  	p0 =	seq.s32 s10, $0x1;
	s10 =	sld [smem:$0x3FB6];
	_ =	sdelay $0x3  }
0x34: {  	[smem:$0x3FB6] =	sst s10  }
0x35: {  	s10 =	sld [smem:$0x3FB5];
	_ =	sdelay $0x3  }
0x36: {  	p1 =	seq.s32 s10, $0x1;
	s10 =	sld [smem:$0x3FB6];
	_ =	sdelay $0x3  }
0x37: {  	[smem:$0x3FB6] =	sst s10  }
0x38: {  	s10 =	sld [smem:$0x3FB7]  }
0x39: {  	_ = 	snop;
	(pc) =	sbr.ind lr, $3  }
0x3a: {  	_ = 	snop  }
0x3b: {  	_ = 	snop  }
0x3c: {  	p2 =	seq.s32 s10, $0x1;
	s10 =	sld [smem:$0x3FB6]  }
0x3d: {  	_ =	shalt  }
0x3e: {  	_ =	shalt  }
0x3f: {  	_ =	shalt  }
0x40: {  	_ =	shalt  }
0x41: {  	_ =	shalt  }
0x42: {  	_ =	shalt  }
0x43: {  	_ =	shalt  }
0x44: {  	_ =	shalt  }
0x45: {  	_ =	shalt  }
0x46: {  	_ =	shalt  }
0x47: {  	_ =	shalt  }
0x48: {  	_ =	shalt  }
0x49: {  	_ =	shalt  }
0x4a: {  	_ =	shalt  }
0x4b: {  	_ =	shalt  }
0x4c: {  	_ =	shalt  }
0x4d: {  	_ =	shalt  }
0x4e: {  	_ =	shalt  }
0x4f: {  	_ =	shalt  }
0x50: {  	_ =	shalt  }
0x51: {  	_ =	shalt  }
0x52: {  	_ =	shalt  }
0x53: {  	_ =	shalt  }
0x54: {  	_ =	shalt  }
0x55: {  	_ =	shalt  }
0x56: {  	_ =	shalt  }
0x57: {  	_ =	shalt  }
0x58: {  	_ =	shalt  }
0x59: {  	_ =	shalt  }
0x5a: {  	_ =	shalt  }
0x5b: {  	_ =	shalt  }
0x5c: {  	_ =	shalt  }
0x5d: {  	_ =	shalt  }
0x5e: {  	_ =	shalt  }
0x5f: {  	_ =	shalt  }
0x60: {  	_ =	shalt  }
0x61: {  	_ =	shalt  }
0x62: {  	_ =	shalt  }
0x63: {  	_ =	shalt  }
0x64: {  	_ =	shalt  }
0x65: {  	_ =	shalt  }
0x66: {  	_ =	shalt  }
0x67: {  	_ =	shalt  }
0x68: {  	_ =	shalt  }
0x69: {  	_ =	shalt  }
0x6a: {  	_ =	shalt  }
0x6b: {  	_ =	shalt  }
0x6c: {  	_ =	shalt  }
0x6d: {  	_ =	shalt  }
0x6e: {  	_ =	shalt  }
0x6f: {  	_ =	shalt  }
0x70: {  	_ =	shalt  }
0x71: {  	_ =	shalt  }
0x72: {  	_ =	shalt  }
0x73: {  	_ =	shalt  }
0x74: {  	_ =	shalt  }
0x75: {  	_ =	shalt  }
0x76: {  	_ =	shalt  }
0x77: {  	_ =	shalt  }
0x78: {  	_ =	shalt  }
0x79: {  	_ =	shalt  }
0x7a: {  	_ =	shalt  }
0x7b: {  	_ =	shalt  }
0x7c: {  	_ =	shalt  }
0x7d: {  	_ =	shalt  }
0x7e: {  	_ =	shalt  }
0x7f: {  	_ =	shalt  }
0x80: {  	_ =	shalt  }
0x81: {  	_ =	shalt  }
0x82: {  	_ =	shalt  }
0x83: {  	_ =	shalt  }
0x84: {  	_ =	shalt  }
0x85: {  	_ =	shalt  }
0x86: {  	_ =	shalt  }
0x87: {  	_ =	shalt  }
.Lfunc_end0:
.L_simem_size_0:
called_computation_lowered:
.L_overlay_start_0:
0x88: {  	s2 =	sld [smem:$0x3FD9]  }
0x89: {  	s3 =	sld [smem:$0x3FFE];
	_ =	sdelay $0x1  }
0x8a: {  	s1 =	srdreg.scid  }
0x8b: {  	s0 =	sand.u32 $0x1, s1  }
0x8c: {  	s16 =	sshll.u32 s0, $0xA;
	s2 =	sadd.s32 s3, s2  }
0x8d: {  	s2 =	sadd.s32 s2, s16  }
0x8e: {  	[smem:$0x3FC2] =	sst s2  }
0x8f: {  	_ = 	snop  }
0x90: {  	(tm) =	ssettm $0x1  }
0x91: {  	s17 =	sld [smem:$0x3FFB];
	_ =	sdelay $0x3  }
0x92: {  	_ =	strace s17  }
0x93: {  	s2 =	sld [smem:$0x3FFC];
	_ =	sdelay $0x3  }
0x94: {  	_ =	strace s2  }
0x95: {  	s2 =	sld [smem:$0x3FFD];
	_ =	sdelay $0x3  }
0x96: {  	_ =	strace s2  }
0x97: {  	_ =	strace $0x8FFFFFFF  }
0x98: {  	s18 =	sld [smem:$0x3FDB];
	_ =	sdelay $0x1  }
0x99: {  	s19 =	simm.s32 $_scs_section_size  }
0x9a: {  	s4 =	simm.s32 $_size__tile_overlayer_lowered;
	s5 =	simm.s32 $_tile_overlayer_lowered  }
0x9b: {  	s22 =	simm.s32 $0x1BFF;
	s21 =	sshll.u32 s5, $0x1;
	s2 =	sadd.s32 s19, s18  }
0x9c: {  	s6 =	simm.s32 $0x0;
	s20 =	sshll.u32 s4, $0x1;
	s4 =	sadd.s32 s21, s2  }
0x9d: {  	[timem:s6], [sflag:s22] =	dma.local [hbm:s4], s20  }
0x9e: {  	_ =	swait.ge [sflag:s22], s20  }
0x9f: {  	s3 =	ssub.s32 $0x0, s20;
	[sflag:s22] =	ssyncset.done $0x0  }
0xa0: {  	[sflag:s22] =	ssyncadd.s32 s3;
	_ =	sdelay $0x1  }
0xa1: {  	s23 =	simm.s32 $0x1B8B  }
0xa2: {  	_ =	swait.ge [sflag:s23], $0x1  }
0xa3: {  	[sflag:s23] =	ssyncset.done $0x0  }
0xa4: {  	s25 =	simm.s32 $0x1B8E;
	s24 =	sld [smem:$0x3FFE];
	[sflag:s23] =	ssyncadd.s32 $0xFFFFFFFF  }
0xa5: {  	s26 =	simm.s32 $execute0_lowered;
	[smem:$0x3FD2] =	sst s25  }
0xa6: {  	s4 =	sshll.u32 s26, $0x1;
	_ =	strace $0x80000046;
	[dreg:$0x1] =	wrdreg $0xFFFFFFFF  }
0xa7: {  	s28 =	simm.s32 $_size_execute0_lowered;
	s2 =	sadd.s32 s2, s4;
	[dreg:$0x0] =	wrdreg $0x0  }
0xa8: {  	s4 =	sshll.u32 s28, $0x1;
	[dreg:$0x2] =	wrdreg s2  }
0xa9: {  	[dreg:$0x3] =	wrdreg s4  }
0xaa: {  	[dreg:$0x4] =	wrdreg $0xC0  }
0xab: {  	_ =	task [dreg:s6], $0x5FFFF  }
0xac: {  	[dreg:$0x1] =	wrdreg $0xFFFFFFFF  }
0xad: {  	[dreg:$0x0] =	wrdreg $0x60  }
0xae: {  	[dreg:$0x2] =	wrdreg s24  }
0xaf: {  	[dreg:$0x3] =	wrdreg $0x9  }
0xb0: {  	_ =	task.clear_ibuf [dreg:s6], $0x4FFFF;
	_ =	strace $0x90000046  }
0xb1: {  	s29 =	simm.s32 $0x9;
	_ =	strace $0x8000004F  }
0xb2: {  	_ =	swait.ge [sflag:s29], $0x1  }
0xb3: {  	[sflag:s29] =	ssyncadd.s32 $0xFFFFFFFF  }
0xb4: {  	_ =	strace $0x9000004F  }
0xb5: {  	_ =	sfence  }
0xb6: {  	s30 =	sld [smem:$0x0];
	_ =	sdelay $0x2  }
0xb7: {  	s31 =	sshll.u32 s1, $0xD;
	s1 =	sshrl.u32 s1, $0x2  }
0xb8: {  	s3 =	sand.u32 $0x4000, s31;
	s1 =	sadd.s32 s1, s30  }
0xb9: {  	s0 =	sor.u32 s3, s0;
	s1 =	sshll.u32 s1, $0x11  }
0xba: {  	s0 =	sor.u32 s1, s0  }
0xbb: {  	s0 =	sadd.s32 $0x8F2B, s0  }
0xbc: {  	[sflag:s0] =	ssyncadd.remote.s32 $0x1  }
0xbd: {  	_ =	sfence.sel $0xFFFF  }
0xbe: {  	[dreg:$0x0] =	wrdreg $0xFFFFFFFF;
	(pc) =	sbr.abs _section_cstart, $3  }
0xbf: {  	[dreg:$0x1] =	wrdreg $0xFFFFFFFF  }
0xc0: {  	_ =	task.clear_ibuf [dreg:s6], $0x2FFFF;
	_ =	strace $0x9FFFFFFF  }
0xc1: {  	(tm) =	ssettm $0x7FFFFFFF  }
tec
execute0_lowered:
.L_overlay_start_1:
0x0: {  	(tag) =	ssettag $0x1  }
0x1: {  	s4 =	rddreg [dreg:$0x0]  }
0x2: {  	s1 =	srdreg.scid;
	s2 =	simm.s32 $0x0;
	s9 =	simm.s32 $0x80  }
0x3: {  	s10 =	simm.s32 $0x5;
	s11 =	simm.s32 $0x4;
	s12 =	simm.s32 $0x0  }
0x4: {  	s5 =	sand.u32 $0x1, s1;
	[smem:$0x7FF] =	sst s2;
	s1 =	stileid.u32  }
0x5: {  	s3 =	sadd.s32 $0xC00, s4;
	s7 =	sadd.s32 $0x3DEC00, s4;
	s6 =	sshll.u32 s5, $0x4  }
0x6: {  	s4 =	sadd.s32 $0x3D4C00, s4;
	s5 =	ssub.s32 $0x2, s5;
	s6 =	sor.u32 s1, s6  }
0x7: {  	_ =	strace $0x80000047;
	s31 =	sshrl.u32 s5, $0x1;
	s8 =	smul.u32 $0x500, s6  }
0x8: {  	[dreg:$0x2] =	wrdreg s7;
	s7 =	ssub.s32 s5, s31;
	s5 =	smul.u32 $0x14, s6  }
0x9: {  	s7 =	smax.u32 s7, $0x1;
	s6 =	sadd.s32 s4, s8;
	s8 =	simm.s32 $0x1  }
.LBB2_1:
0xa: {  	_ =	strace $0x80000048;
	s13 =	simm.s32 $0x1;
	p0 =	por $0x0, $0x0  }
0xb: {  	[tilespmem:s2], [sflag:$0x1] =	stream.linear.gather [hbm4b:s6+s2], $0x200, $0x200038;
	[tilespmem:$0x8400] =	vst v63  }
0xc: {  	s13 =	simm.s32 @p0 $0x0  }
0xd: {  	p5 =	por $0x1, $0x1;
	p3 =	sne.s32 s13, $0x0  }
0xe: {  	p0 =	por !p5, !p3  }
0xf: {  	p0 =	por !p0, !p0  }
0x10: {  	s14 =	sadd.s32 @p0 s5, s13  }
0x11: {  	_ =	strace $0x90000048;
	s15 =	sand.u32 @p0 $0x1, s8;
	s14 =	sshll.u32 @p0 s14, $0x6  }
0x12: {  	s16 =	simm.s32 @p0 $0x0;
	_ =	strace @p0 $0x80000049;
	s14 =	sand.u32 @p0 $0x1FFFFFC0, s14  }
0x13: {  	s17 =	sshll.u32 @p0 s15, $0x9;
	s15 =	sadd.s32 @p0 $0x1, s15;
	s14 =	sadd.s32 @p0 s4, s14  }
0x14: {  	[tilespmem:s17], [sflag:s15] =	stream.linear.gather @p0 [hbm4b:s14+s16], $0x200, $0x200038;
	[tilespmem:$0x8400] =	vst v63  }
0x15: {  	s21 =	sand.u32 $0x1, s2;
	_ =	strace @p0 $0x90000049  }
0x16: {  	s20 =	sadd.s32 $0x1, s21;
	_ =	strace $0x8000004A  }
0x17: {  	_ =	swait.ge [sflag:s20], $0x200  }
0x18: {  	[sflag:s20] =	ssyncset.done $0x0  }
0x19: {  	s23 =	simm.s32 $0x0;
	[sflag:s20] =	ssyncadd.s32 $0xFFFFFE00  }
0x1a: {  	p1 =	por $0x1, $0x1;
	s22 =	sshll.u32 s21, $0xE;
	_ =	strace $0x9000004A  }
0x1b: {  	s15 =	sand.u32 $0x200, s23;
	s20 =	sor.u32 $0x400, s22;
	_ =	strace $0x8000004B  }
0x1c: {  	[tilespmem:s20], [sflag:$0x5] =	stream.indirect.gather [hbm4b:s3+s9], $0x20, s15, s9, $0x2000b8;
	[tilespmem:$0x8400] =	vst v63  }
0x1d: {  	p4 =	por $0x0, $0x0;
	s24 =	sor.u32 $0x1400, s22;
	s25 =	sor.u32 $0x80, s15  }
0x1e: {  	[tilespmem:s24], [sflag:$0x5] =	stream.indirect.gather [hbm4b:s3+s9], $0x20, s25, s9, $0x2000b8;
	[tilespmem:$0x8400] =	vst v63  }
0x1f: {  	s18 =	simm.s32 $0x1;
	s26 =	sor.u32 $0x2400, s22;
	s31 =	sor.u32 $0x100, s15  }
0x20: {  	[tilespmem:s26], [sflag:$0x5] =	stream.indirect.gather [hbm4b:s3+s9], $0x20, s31, s9, $0x2000b8;
	[tilespmem:$0x8400] =	vst v63  }
0x21: {  	p6 =	por $0x1, $0x1;
	s14 =	sor.u32 $0x3400, s22;
	s15 =	sor.u32 $0x180, s15  }
0x22: {  	[tilespmem:s14], [sflag:$0x5] =	stream.indirect.gather [hbm4b:s3+s9], $0x20, s15, s9, $0x2000b8;
	[tilespmem:$0x8400] =	vst v63  }
0x23: {  	s29 =	simm.s32 $0x1;
	p2 =	por p1, p1;
	_ =	swait.ge [sflag:s10], $0x1000  }
0x24: {  	s19 =	sadd.s32 $0x1, s13;
	p5 =	por $0x0, $0x0;
	[sflag:s10] =	ssyncset.done $0x0  }
0x25: {  	s18 =	simm.s32 @!p0 $0x0;
	s17 =	simm.s32 $0x12;
	[sflag:s10] =	ssyncadd.s32 $0xFFFFF000  }
0x26: {  	s16 =	sand.u32 @!p1 $0x1, s2;
	p1 =	por $0x0, $0x0;
	_ =	swait.ge [sflag:s10], $0x1000  }
0x27: {  	s23 =	sadd.s32 $0x1, s18;
	s18 =	simm.s32 $0x0;
	[sflag:s10] =	ssyncset.done $0x0  }
0x28: {  	s22 =	simm.s32 $0x0;
	s24 =	simm.s32 $0x1;
	[sflag:s10] =	ssyncadd.s32 $0xFFFFF000  }
0x29: {  	s24 =	simm.s32 @!p5 $0x0;
	p5 =	seq.s32 s19, $0x14;
	_ =	swait.ge [sflag:s10], $0x1000  }
0x2a: {  	s19 =	simm.s32 @p5 $0x0;
	p5 =	por p4, p3;
	[sflag:s10] =	ssyncset.done $0x0  }
0x2b: {  	p0 =	sne.s32 s13, s19;
	s29 =	simm.s32 @!p5 $0x0;
	[sflag:s10] =	ssyncadd.s32 $0xFFFFF000  }
0x2c: {  	s14 =	simm.s32 $0x13;
	s15 =	sadd.s32 $0x0, s5;
	_ =	swait.ge [sflag:s10], $0x1000  }
0x2d: {  	p6 =	por !p6, !p0;
	s30 =	sshll.u32 @p5 s15, $0xB;
	[sflag:s10] =	ssyncset.done $0x0  }
0x2e: {  	p3 =	por !p6, !p6;
	s15 =	simm.s32 $0x0;
	[sflag:s10] =	ssyncadd.s32 $0xFFFFF000  }
0x2f: {  	s28 =	sand.u32 @p3 $0x1, s23;
	s25 =	sadd.s32 @p3 s5, s19;
	_ =	strace $0x9000004B  }
.LBB2_2:
0x30: {  	s31 =	sshll.u32 @p3 s25, $0x6;
	_ =	strace @p5 $0x8000004C;
	s21 =	sadd.s32 @p5 $0x3, s21  }
0x31: {  	s26 =	smov.u32 s13;
	s30 =	sand.u32 @p5 $0x1FFFF800, s30;
	s18 =	sadd.s32 s29, s18  }
0x32: {  	s22 =	sadd.s32 s29, s22;
	s13 =	sand.u32 @p3 $0x1FFFFFC0, s31;
	s31 =	rddreg [dreg:$0x2]  }
0x33: {  	s0 =	sadd.s32 @p3 s4, s13;
	s13 =	simm.s32 @p5 $0x0;
	s29 =	sadd.s32 @p5 s31, s30  }
0x34: {  	[hbm4b:s29+s13] =	stream.linear.scatter @p5 [tilespmem:s20], [sflag:s21], $0x4000, $0x200038;
	[tilespmem:$0x8400] =	vst v63  }
0x35: {  	_ =	strace @p5 $0x9000004C  }
0x36: {  	s20 =	sadd.s32 @!p2 $0x3, s16;
	_ =	strace @!p2 $0x8000004D  }
0x37: {  	_ =	swait.ge @!p2 [sflag:s20], $0x4000  }
0x38: {  	s15 =	sadd.s32 s24, s15;
	[sflag:s20] =	ssyncset.done @!p2 $0x0  }
0x39: {  	s24 =	sand.u32 @!p1 $0x1, s15;
	[sflag:s20] =	ssyncadd.s32 @!p2 $0xFFFFC000  }
0x3a: {  	s16 =	smov.u32 s24;
	s21 =	simm.s32 @p3 $0x0;
	_ =	strace @!p2 $0x9000004D  }
0x3b: {  	s24 =	sshll.u32 @p3 s28, $0x9;
	s28 =	sadd.s32 @p3 $0x1, s28;
	_ =	strace @p3 $0x80000049  }
0x3c: {  	[tilespmem:s24], [sflag:s28] =	stream.linear.gather @p3 [hbm4b:s0+s21], $0x200, $0x200038;
	[tilespmem:$0x8400] =	vst v63  }
0x3d: {  	s31 =	sand.u32 $0x1, s22;
	_ =	strace @p3 $0x90000049  }
0x3e: {  	s29 =	sadd.s32 $0x1, s31;
	_ =	strace $0x8000004A  }
0x3f: {  	_ =	swait.ge [sflag:s29], $0x200  }
0x40: {  	[sflag:s29] =	ssyncset.done $0x0  }
0x41: {  	s21 =	sand.u32 $0x1, s18;
	[sflag:s29] =	ssyncadd.s32 $0xFFFFFE00  }
0x42: {  	s31 =	sshll.u32 s22, $0x9;
	s0 =	sshll.u32 s21, $0xE;
	_ =	strace $0x9000004A  }
0x43: {  	s24 =	sand.u32 $0x200, s31;
	s20 =	sor.u32 $0x400, s0;
	_ =	strace $0x8000004B  }
0x44: {  	[tilespmem:s20], [sflag:$0x5] =	stream.indirect.gather [hbm4b:s3+s9], $0x20, s24, s9, $0x2000b8;
	[tilespmem:$0x8400] =	vst v63  }
0x45: {  	s25 =	smov.u32 s14;
	s28 =	sor.u32 $0x1400, s0;
	s29 =	sor.u32 $0x80, s24  }
0x46: {  	[tilespmem:s28], [sflag:$0x5] =	stream.indirect.gather [hbm4b:s3+s9], $0x20, s29, s9, $0x2000b8;
	[tilespmem:$0x8400] =	vst v63  }
0x47: {  	s14 =	smov.u32 s17;
	s28 =	sor.u32 $0x2400, s0;
	s29 =	sor.u32 $0x100, s24  }
0x48: {  	[tilespmem:s28], [sflag:$0x5] =	stream.indirect.gather [hbm4b:s3+s9], $0x20, s29, s9, $0x2000b8;
	[tilespmem:$0x8400] =	vst v63  }
0x49: {  	s17 =	sadd.s32 $0xFFFFFFFF, s17;
	s0 =	sor.u32 $0x3400, s0;
	s24 =	sor.u32 $0x180, s24  }
0x4a: {  	[tilespmem:s0], [sflag:$0x5] =	stream.indirect.gather [hbm4b:s3+s9], $0x20, s24, s9, $0x2000b8;
	[tilespmem:$0x8400] =	vst v63  }
0x4b: {  	p4 =	sne.s32 s17, $0x0;
	p6 =	sne.s32 s25, $0x14;
	_ =	swait.ge [sflag:s10], $0x1000  }
0x4c: {  	s13 =	smov.u32 s19;
	s19 =	sadd.s32 $0x1, s19;
	[sflag:s10] =	ssyncset.done $0x0  }
0x4d: {  	p5 =	seq.s32 s25, $0x1;
	s25 =	simm.s32 $0x1;
	[sflag:s10] =	ssyncadd.s32 $0xFFFFF000  }
0x4e: {  	s25 =	simm.s32 @!p3 $0x0;
	p5 =	por p5, p0;
	_ =	swait.ge [sflag:s10], $0x1000  }
0x4f: {  	s23 =	sadd.s32 s25, s23;
	p2 =	por p1, p1;
	[sflag:s10] =	ssyncset.done $0x0  }
0x50: {  	p1 =	seq.s32 s14, $0x14;
	s29 =	simm.s32 $0x1;
	[sflag:s10] =	ssyncadd.s32 $0xFFFFF000  }
0x51: {  	s29 =	simm.s32 @!p5 $0x0;
	s24 =	simm.s32 $0x1;
	_ =	swait.ge [sflag:s10], $0x1000  }
0x52: {  	s24 =	simm.s32 @!p6 $0x0;
	p6 =	seq.s32 s19, $0x14;
	[sflag:s10] =	ssyncset.done $0x0  }
.Ltmp0:
0x53: {  	s19 =	simm.s32 @p6 $0x0;
	[sflag:s10] =	ssyncadd.s32 $0xFFFFF000;
	(pc) =	sbr.rel @p4 .LBB2_2-.Ltmp0, $4  }
0x54: {  	p6 =	sne.s32 s14, $0x1;
	p0 =	sne.s32 s13, s19;
	_ =	swait.ge [sflag:s10], $0x1000  }
0x55: {  	s0 =	sadd.s32 s5, s26;
	p3 =	por !p6, !p0;
	[sflag:s10] =	ssyncset.done $0x0  }
0x56: {  	s30 =	sshll.u32 @p5 s0, $0xB;
	p3 =	por !p3, !p3;
	[sflag:s10] =	ssyncadd.s32 $0xFFFFF000  }
0x57: {  	s28 =	sand.u32 @p3 $0x1, s23;
	s25 =	sadd.s32 @p3 s5, s19;
	_ =	strace $0x9000004B  }
0x58: {  	_ =	strace @p5 $0x8000004C  }
0x59: {  	s17 =	sand.u32 @p5 $0x1FFFF800, s30;
	s0 =	rddreg [dreg:$0x2]  }
0x5a: {  	s19 =	sadd.s32 @p5 $0x3, s21;
	s21 =	simm.s32 @p5 $0x0;
	s0 =	sadd.s32 @p5 s0, s17  }
0x5b: {  	[hbm4b:s0+s21] =	stream.linear.scatter @p5 [tilespmem:s20], [sflag:s19], $0x4000, $0x200038;
	[tilespmem:$0x8400] =	vst v63  }
0x5c: {  	_ =	strace @p5 $0x9000004C  }
0x5d: {  	s0 =	sadd.s32 @!p2 $0x3, s16;
	_ =	strace @!p2 $0x8000004D  }
0x5e: {  	_ =	swait.ge @!p2 [sflag:s0], $0x4000  }
0x5f: {  	s22 =	sadd.s32 s29, s22;
	[sflag:s0] =	ssyncset.done @!p2 $0x0  }
0x60: {  	s16 =	sshll.u32 @p3 s25, $0x6;
	s19 =	sshll.u32 @p3 s28, $0x9;
	[sflag:s0] =	ssyncadd.s32 @!p2 $0xFFFFC000  }
0x61: {  	s17 =	simm.s32 @p3 $0x0;
	s16 =	sand.u32 @p3 $0x1FFFFFC0, s16;
	_ =	strace @!p2 $0x9000004D  }
0x62: {  	s20 =	sadd.s32 @p3 $0x1, s28;
	s16 =	sadd.s32 @p3 s4, s16;
	_ =	strace @p3 $0x80000049  }
0x63: {  	[tilespmem:s19], [sflag:s20] =	stream.linear.gather @p3 [hbm4b:s16+s17], $0x200, $0x200038;
	[tilespmem:$0x8400] =	vst v63  }
0x64: {  	s23 =	sand.u32 $0x1, s22;
	_ =	strace @p3 $0x90000049  }
0x65: {  	s16 =	sadd.s32 $0x1, s23;
	_ =	strace $0x8000004A  }
0x66: {  	_ =	swait.ge [sflag:s16], $0x200  }
0x67: {  	s25 =	sadd.s32 s29, s18;
	[sflag:s16] =	ssyncset.done $0x0  }
0x68: {  	s17 =	sand.u32 $0x1, s25;
	[sflag:s16] =	ssyncadd.s32 $0xFFFFFE00  }
0x69: {  	s0 =	sshll.u32 s22, $0x9;
	s26 =	sshll.u32 s17, $0xE;
	_ =	strace $0x9000004A  }
0x6a: {  	s0 =	sand.u32 $0x200, s0;
	s18 =	sor.u32 $0x400, s26;
	_ =	strace $0x8000004B  }
0x6b: {  	[tilespmem:s18], [sflag:$0x5] =	stream.indirect.gather [hbm4b:s3+s9], $0x20, s0, s9, $0x2000b8;
	[tilespmem:$0x8400] =	vst v63  }
0x6c: {  	s29 =	sor.u32 $0x80, s0;
	s28 =	sor.u32 $0x1400, s26  }
0x6d: {  	[tilespmem:s28], [sflag:$0x5] =	stream.indirect.gather [hbm4b:s3+s9], $0x20, s29, s9, $0x2000b8;
	[tilespmem:$0x8400] =	vst v63  }
0x6e: {  	s31 =	sor.u32 $0x100, s0;
	s30 =	sor.u32 $0x2400, s26  }
0x6f: {  	[tilespmem:s30], [sflag:$0x5] =	stream.indirect.gather [hbm4b:s3+s9], $0x20, s31, s9, $0x2000b8;
	[tilespmem:$0x8400] =	vst v63  }
0x70: {  	s16 =	sor.u32 $0x3400, s26;
	s0 =	sor.u32 $0x180, s0  }
0x71: {  	[tilespmem:s16], [sflag:$0x5] =	stream.indirect.gather [hbm4b:s3+s9], $0x20, s0, s9, $0x2000b8;
	[tilespmem:$0x8400] =	vst v63  }
0x72: {  	_ =	swait.ge [sflag:s10], $0x1000  }
0x73: {  	[sflag:s10] =	ssyncset.done $0x0  }
0x74: {  	[sflag:s10] =	ssyncadd.s32 $0xFFFFF000  }
0x75: {  	_ =	swait.ge [sflag:s10], $0x1000  }
0x76: {  	[sflag:s10] =	ssyncset.done $0x0  }
0x77: {  	[sflag:s10] =	ssyncadd.s32 $0xFFFFF000  }
0x78: {  	_ =	swait.ge [sflag:s10], $0x1000  }
0x79: {  	[sflag:s10] =	ssyncset.done $0x0  }
0x7a: {  	[sflag:s10] =	ssyncadd.s32 $0xFFFFF000  }
0x7b: {  	_ =	swait.ge [sflag:s10], $0x1000  }
0x7c: {  	[sflag:s10] =	ssyncset.done $0x0  }
0x7d: {  	p6 =	seq.s32 s14, $0x1;
	[sflag:s10] =	ssyncadd.s32 $0xFFFFF000  }
0x7e: {  	p0 =	por p6, p0;
	s0 =	sadd.s32 s5, s13;
	_ =	strace $0x9000004B  }
0x7f: {  	s0 =	sshll.u32 @p0 s0, $0xB;
	_ =	strace @p0 $0x8000004C  }
0x80: {  	s14 =	sadd.s32 s24, s15;
	s0 =	sand.u32 @p0 $0x1FFFF800, s0;
	s13 =	rddreg [dreg:$0x2]  }
0x81: {  	s15 =	sadd.s32 @p0 $0x3, s17;
	s16 =	simm.s32 @p0 $0x0;
	s0 =	sadd.s32 @p0 s13, s0  }
0x82: {  	[hbm4b:s0+s16] =	stream.linear.scatter @p0 [tilespmem:s18], [sflag:s15], $0x4000, $0x200038;
	[tilespmem:$0x8400] =	vst v63  }
0x83: {  	s0 =	sand.u32 @!p1 $0x1, s14;
	p1 =	por p1, p1;
	_ =	strace @p0 $0x9000004C  }
0x84: {  	s0 =	sadd.s32 @!p1 $0x3, s0;
	_ =	strace @!p1 $0x8000004D  }
0x85: {  	_ =	swait.ge @!p1 [sflag:s0], $0x4000  }
0x86: {  	[sflag:s0] =	ssyncset.done @!p1 $0x0  }
0x87: {  	s12 =	sadd.s32 $0x1, s12;
	[sflag:s0] =	ssyncadd.s32 @!p1 $0xFFFFC000  }
0x88: {  	p0 =	sne.s32 s12, s7;
	_ =	strace @!p1 $0x9000004D  }
.Ltmp1:
0x89: {  	_ =	strace $0x8000004E;
	(pc) =	sbr.rel @p0 .LBB2_1-.Ltmp1, $4  }
0x8a: {  	_ =	swait.ge [sflag:s11], $0x4000  }
0x8b: {  	[sflag:s11] =	ssyncset.done $0x0  }
0x8c: {  	[sflag:s11] =	ssyncadd.s32 $0xFFFFC000  }
0x8d: {  	_ =	strace $0x9000004E  }
0x8e: {  	_ =	sfence.sel $0x180000  }
0x8f: {  	[bflag:$0x0] =	sbarrier.arrive $0xFFFF  }
0x90: {  	_ =	strace $0x90000047  }
0x91: {  	[bflag:$0x2] =	sbarrier.arrive $0xFFFF  }
0x92: {  	p0 =	sne.s32 s1, $0x0;
	s0 =	rddreg [dreg:$0x1]  }
0x93: {  	s0 =	sadd.s32 @!p0 $0x100000, s0  }
0x94: {  	[sflag:s0] =	ssyncadd.tile.s32 @!p0 $0x1;
	_ =	shalt  }
.Lfunc_end2:
_tile_overlayer_lowered:
.L_overlay_start_2:
0x95: {  	(tag) =	ssettag $0x2  }
0x96: {  	s0 =	rddreg [dreg:$0x0];
	s2 =	stileid.u32  }
0x97: {  	s1 =	rddreg [dreg:$0x1];
	p0 =	sne.s32 s2, $0x0  }
0x98: {  	s3 =	rddreg [dreg:$0x2];
	[bflag:$0x3] =	sbarrier.arrive $0xFFFF;
	s2 =	simm.s32 @!p0 $0x1C01  }
0x99: {  	[timem:s3], [sflag:s2] =	dma.local @!p0 [hbm:s0], s1  }
0x9a: {  	s0 =	simm.s32 @!p0 $0x1  }
0x9b: {  	_ =	swait.ge @!p0 [sflag:s0], s1  }
0x9c: {  	s1 =	ssub.s32 @!p0 $0x0, s1;
	[sflag:s0] =	ssyncset.done @!p0 $0x0  }
0x9d: {  	[sflag:s0] =	ssyncadd.s32 @!p0 s1  }
0x9e: {  	[bflag:$0x3] =	sbarrier.arrive $0xFFFF  }
0x9f: {  	_ =	shalt  }

</sc_bundles>
